<compile_context>
chip_gen: v7x
topology: tpu7x:2x2x1
jax: 0.10.2.dev20260603
libtpu: 0.0.44.dev20260713+nightly
codegen_flags: <defaults>
</compile_context>

<pallas_src>
import functools

import jax
import jax.numpy as jnp
from jax import lax
from jax.experimental import pallas as pl
from jax.experimental.pallas import tpu as pltpu
from jax.experimental.pallas import tpu_sc as plsc

V = 100000
D = 128
H = 128
L = 200

NC = 2
NS = 16
NW = NC * NS
PER = 8
ACTIVE = L // PER

BV = 4000
K = V // BV
OFF = 6
VSC = OFF * BV
KC = K - OFF

NGRP = VSC // 16
GBASE = NGRP // NW
GREM = NGRP - GBASE * NW
CH_MAX = 16
CHUNKS = [CH_MAX] * (GBASE // CH_MAX)
if GBASE % CH_MAX:
    CHUNKS.append(GBASE % CH_MAX)
CH_R = CH_MAX * 16


def _sc_gather_body(idx_hbm, emb_hbm, out_hbm, idx_v, rows_v, acc_v, sem):
    wid = lax.axis_index("s") * NC + lax.axis_index("c")
    zero = jnp.zeros((16,), jnp.float32)
    for c in range(D // 16):
        acc_v[pl.ds(c * 16, 16)] = zero

    @pl.when(wid < ACTIVE)
    def _():
        base = wid * PER
        pltpu.sync_copy(idx_hbm.at[pl.ds(base, PER)], idx_v)
        pltpu.async_copy(emb_hbm.at[idx_v], rows_v, sem).wait()
        for c in range(D // 16):
            acc = rows_v[0, pl.ds(c * 16, 16)]
            for r in range(1, PER):
                acc = acc + rows_v[r, pl.ds(c * 16, 16)]
            acc_v[pl.ds(c * 16, 16)] = acc

    pltpu.sync_copy(acc_v, out_hbm.at[wid])


@functools.cache
def _sc_gather_sum():
    return pl.kernel(
        _sc_gather_body,
        out_type=jax.ShapeDtypeStruct((NW, D), jnp.float32),
        mesh=plsc.VectorSubcoreMesh(
            core_axis_name="c", subcore_axis_name="s",
            num_cores=NC, num_subcores=NS,
        ),
        scratch_types=[
            pltpu.VMEM((PER,), jnp.int32),
            pltpu.VMEM((PER, D), jnp.float32),
            pltpu.VMEM((D,), jnp.float32),
            pltpu.SemaphoreType.DMA,
        ],
    )


def _lanesum(p, iota):
    for k in (8, 4, 2, 1):
        idx = (iota + k) & 15
        p = p + p.at[idx].get(mode="promise_in_bounds")
    return p


def _group_dot(src, g16, hs, init, iota):
    q = init
    for r in range(16):
        p = src[g16 + r, pl.ds(0, 16)] * hs[0]
        for c in range(1, D // 16):
            p = p + src[g16 + r, pl.ds(c * 16, 16)] * hs[c]
        p = _lanesum(p, iota)
        q = jnp.where(iota == r, q + p, q)
    return q


def _sc_logits_body(idx_hbm, emb_hbm, w1_hbm, b1_hbm, w2_hbm, b2_hbm, out_hbm,
                    idx_v, rows_v, pvt_v, spart_v, w1_v, b1_v, b2_v, h_v,
                    logit_v, buf0, buf1, shared, sem0, sem1):
    cid = lax.axis_index("c")
    sid = lax.axis_index("s")
    wid = sid * NC + cid
    iota = lax.iota(jnp.int32, 16)
    grp0 = GBASE * wid + jnp.minimum(wid, GREM)
    row0 = pl.multiple_of(grp0 * 16, 16)

    pltpu.async_copy(
        w2_hbm.at[pl.ds(row0, CHUNKS[0] * 16)],
        buf0.at[pl.ds(0, CHUNKS[0] * 16)], sem0,
    )

    idx_v[pl.ds(0, 16)] = jnp.zeros((16,), jnp.int32)
    pltpu.sync_copy(idx_hbm.at[pl.ds(sid * 8, 8)], idx_v.at[pl.ds(0, 8)])

    @pl.when(sid < L // 8 - NS)
    def _():
        pltpu.sync_copy(idx_hbm.at[pl.ds((sid + NS) * 8, 8)],
                        idx_v.at[pl.ds(8, 8)])

    pltpu.async_copy(emb_hbm.at[idx_v], rows_v, sem1).wait()
    pltpu.sync_copy(w1_hbm, w1_v)
    pltpu.sync_copy(b1_hbm, b1_v)
    pltpu.sync_copy(b2_hbm.at[pl.ds(row0, (GBASE + 1) * 16)], b2_v)

    f2 = jnp.where(sid < L // 8 - NS, 1.0, 0.0)
    for c in range(D // 16):
        s1 = rows_v[0, pl.ds(c * 16, 16)]
        for r in range(1, 8):
            s1 = s1 + rows_v[r, pl.ds(c * 16, 16)]
        s2 = rows_v[8, pl.ds(c * 16, 16)]
        for r in range(9, 16):
            s2 = s2 + rows_v[r, pl.ds(c * 16, 16)]
        pvt_v[pl.ds(c * 16, 16)] = s1 + s2 * f2

    pltpu.sync_copy(pvt_v, shared.at[sid])
    plsc.subcore_barrier()
    pltpu.sync_copy(shared, spart_v)

    embs = []
    for c in range(D // 16):
        e = spart_v[0, pl.ds(c * 16, 16)]
        for r in range(1, NS):
            e = e + spart_v[r, pl.ds(c * 16, 16)]
        embs.append(e)

    def h_grp(g, carry):
        q = _group_dot(w1_v, g * 16, embs, b1_v[g, pl.ds(0, 16)], iota)
        h_v[g, pl.ds(0, 16)] = jnp.maximum(q, jnp.zeros((16,), jnp.float32))
        return carry

    lax.fori_loop(0, H // 16, h_grp, 0)
    hs = [h_v[c, pl.ds(0, 16)] for c in range(D // 16)]

    bufs = (buf0, buf1)
    sems = (sem0, sem1)

    goff = 0
    for ci, cnt in enumerate(CHUNKS):
        if ci + 1 < len(CHUNKS):
            n = CHUNKS[ci + 1] * 16
            pltpu.async_copy(
                w2_hbm.at[pl.ds(row0 + (goff + cnt) * 16, n)],
                bufs[(ci + 1) % 2].at[pl.ds(0, n)], sems[(ci + 1) % 2],
            )
        buf = bufs[ci % 2]
        pltpu.make_async_copy(
            w2_hbm.at[pl.ds(row0, cnt * 16)],
            buf.at[pl.ds(0, cnt * 16)], sems[ci % 2],
        ).wait()

        def mv_grp(g, carry, _buf=buf, _goff=goff):
            o16 = pl.multiple_of((_goff + g) * 16, 16)
            q = _group_dot(_buf, g * 16, hs, b2_v[pl.ds(o16, 16)], iota)
            logit_v[pl.ds(o16, 16)] = q
            return carry

        lax.fori_loop(0, cnt, mv_grp, 0)
        goff += cnt

    pltpu.sync_copy(logit_v.at[pl.ds(0, GBASE * 16)],
                    out_hbm.at[pl.ds(row0, GBASE * 16)])

    @pl.when(wid < GREM)
    def _():
        pltpu.async_copy(
            w2_hbm.at[pl.ds(row0 + GBASE * 16, 16)],
            buf0.at[pl.ds(0, 16)], sem0,
        ).wait()
        q = _group_dot(buf0, 0, hs, b2_v[pl.ds(GBASE * 16, 16)], iota)
        logit_v[pl.ds(0, 16)] = q
        pltpu.sync_copy(logit_v.at[pl.ds(0, 16)],
                        out_hbm.at[pl.ds(row0 + GBASE * 16, 16)])


@functools.cache
def _sc_logits():
    return pl.kernel(
        _sc_logits_body,
        out_type=jax.ShapeDtypeStruct((VSC,), jnp.float32),
        mesh=plsc.VectorSubcoreMesh(
            core_axis_name="c", subcore_axis_name="s",
            num_cores=NC, num_subcores=NS,
        ),
        scratch_types=[
            pltpu.VMEM((16,), jnp.int32),
            pltpu.VMEM((16, D), jnp.float32),
            pltpu.VMEM((D,), jnp.float32),
            pltpu.VMEM((NS, D), jnp.float32),
            pltpu.VMEM((H, D), jnp.float32),
            pltpu.VMEM((H // 16, 16), jnp.float32),
            pltpu.VMEM(((GBASE + 1) * 16,), jnp.float32),
            pltpu.VMEM((H // 16, 16), jnp.float32),
            pltpu.VMEM((GBASE * 16,), jnp.float32),
            pltpu.VMEM((CH_R, D), jnp.float32),
            pltpu.VMEM((CH_R, D), jnp.float32),
            pltpu.VMEM_SHARED((NS, D), jnp.float32),
            pltpu.SemaphoreType.DMA,
            pltpu.SemaphoreType.DMA,
        ],
    )


def _tc_body(part_ref, w1_ref, b1_ref, w2_ref, out_ref, h_scr):
    k = pl.program_id(0)

    @pl.when(k == 0)
    def _():
        embeds = jnp.sum(part_ref[...], axis=0, keepdims=True)
        h = lax.dot_general(
            embeds, w1_ref[...], (((1,), (1,)), ((), ())),
            preferred_element_type=jnp.float32,
        ) + b1_ref[...]
        h_scr[...] = jnp.maximum(h, 0.0)

    out_ref[...] = lax.dot_general(
        h_scr[...], w2_ref[...], (((1,), (1,)), ((), ())),
        preferred_element_type=jnp.float32,
    )[None]


def _tc_mlp(partials, W1, b1r, W2):
    return pl.pallas_call(
        _tc_body,
        grid=(K,),
        in_specs=[
            pl.BlockSpec((NW, D), lambda k: (0, 0)),
            pl.BlockSpec((H, D), lambda k: (0, 0)),
            pl.BlockSpec((1, H), lambda k: (0, 0)),
            pl.BlockSpec((BV, H), lambda k: (k, 0)),
        ],
        out_specs=pl.BlockSpec((1, 1, BV), lambda k: (k, 0, 0)),
        out_shape=jax.ShapeDtypeStruct((K, 1, BV), jnp.float32),
        scratch_shapes=[pltpu.VMEM((1, H), jnp.float32)],
        compiler_params=pltpu.CompilerParams(
            dimension_semantics=("arbitrary",),
        ),
    )(partials, W1, b1r, W2)


def _merge_body(ltc_ref, b2_ref, out_ref):
    m = jnp.max(ltc_ref[0] + b2_ref[pl.ds(0, BV)][None])
    for j in range(1, K):
        bj = ltc_ref[j] + b2_ref[pl.ds(j * BV, BV)][None]
        m = jnp.maximum(m, jnp.max(bj))
    s = jnp.zeros((), jnp.float32)
    for j in range(K):
        bj = ltc_ref[j] + b2_ref[pl.ds(j * BV, BV)][None]
        s = s + jnp.sum(jnp.exp(bj - m))
    lse = m + jnp.log(s)
    for j in range(K):
        bj = ltc_ref[j] + b2_ref[pl.ds(j * BV, BV)][None]
        out_ref[0:1, pl.ds(j * BV, BV)] = bj - lse


def _merge(ltc, b2r):
    return pl.pallas_call(
        _merge_body,
        out_shape=jax.ShapeDtypeStruct((1, V), jnp.float32),
    )(ltc, b2r)


def kernel(inputs, emb, W1, b1, W2, b2):
    idx = inputs.astype(jnp.int32)
    partials = _sc_gather_sum()(idx, emb)
    ltc = _tc_mlp(partials, W1, b1.reshape(1, H), W2)
    return _merge(ltc, b2)

# --- scband reference (transcript-rebuilt; emitter-appended) ---
"""Pipeline reference for scband-cbow-47218870452416 (READ-ONLY COPY).

The authoritative reference and input builder live on the scoring server;
editing this copy changes nothing except your own understanding.
"""

import jax, jax.numpy as jnp
import numpy as np

V = 100000
D = 128
H = 128
L = 200

def setup_inputs(seed: int = 0) -> dict:
    key = jax.random.key(seed)
    k1, k2, k3, k4, k5, k6 = jax.random.split(key, 6)
    inputs = jax.random.randint(k1, (L,), 0, V, dtype=jnp.int64) if jax.config.jax_enable_x64 else jax.random.randint(k1, (L,), 0, V, dtype=jnp.int32)
    emb = jax.random.normal(k2, (V, D), dtype=jnp.float32) * 0.02
    W1 = jax.random.normal(k3, (H, D), dtype=jnp.float32) * 0.02
    b1 = jnp.zeros((H,), dtype=jnp.float32)
    W2 = jax.random.normal(k4, (V, H), dtype=jnp.float32) * 0.02
    b2 = jnp.zeros((V,), dtype=jnp.float32)
    return {"inputs": inputs, "emb": emb, "W1": W1, "b1": b1, "W2": W2, "b2": b2}

def reference(inputs, emb, W1, b1, W2, b2):
    # embeds = sum(self.embeddings(inputs)).view(1, -1)
    gathered = jnp.take(emb, inputs, axis=0)            # [L, D]
    embeds = jnp.sum(gathered, axis=0).reshape(1, -1)   # [1, D]
    # linear1 + relu
    out = embeds @ W1.T + b1                             # [1, H]
    out = jax.nn.relu(out)
    # linear2
    out = out @ W2.T + b2                                # [1, V]
    # log_softmax
    out = jax.nn.log_softmax(out, axis=1)
    return out

if __name__ == "__main__":
    import jax
    _d = setup_inputs()
    print(jax.jit(kernel)(*tuple(_d.values())))

</pallas_src>

<mosaic_0001>
#map = affine_map<(d0, d1) -> (0)>
#map1 = affine_map<(d0, d1) -> (0, 0)>
module attributes {stable_mosaic.version = 14 : i64} {
  func.func @_sc_gather_body(%arg0: i32, %arg1: i32, %arg2: memref<200xi32, #tpu.memory_space<hbm>>, %arg3: memref<100000x128xf32, #tpu.memory_space<hbm>>, %arg4: memref<32x128xf32, #tpu.memory_space<hbm>>, %arg5: memref<8xi32, #tpu.memory_space<vmem>>, %arg6: memref<8x128xf32, #tpu.memory_space<vmem>>, %arg7: memref<128xf32, #tpu.memory_space<vmem>>, %arg8: memref<!tpu.dma_semaphore, #tpu.memory_space<semaphore_mem>>) attributes {dimension_semantics = [#tpu.dimension_semantics<core_parallel>, #tpu.dimension_semantics<subcore_parallel>], iteration_bounds = array<i64: 2, 16>, scalar_prefetch = 0 : i64, scratch_operands = 4 : i64, tpu.core_type = #tpu.core_type<sc_vector_subcore>, window_params = [{transform_indices = #map}, {transform_indices = #map1}, {transform_indices = #map1}]} {
    %mul3A = arith.constant 2 : i32
    %mul3A_0 = arith.muli %arg1, %mul3A : i32
    %add3A = arith.addi %mul3A_0, %arg0 : i32
    %broadcast_in_dim3A = arith.constant 0.000000e+00 : f32
    %broadcast_in_dim3A_1 = vector.broadcast %broadcast_in_dim3A : f32 to vector<16xf32>
    %swap3A = arith.constant 0 : index
    %swap3A_2 = tpu.vector_load %arg7[%swap3A] {strides = array<i32>} : memref<128xf32, #tpu.memory_space<vmem>>, vector<16xf32>,
    %swap3A_3 = vector.shape_cast %swap3A_2 : vector<16xf32> to vector<16xf32>
    %swap3A_4 = vector.shape_cast %broadcast_in_dim3A_1 : vector<16xf32> to vector<16xf32>
    tpu.vector_store %arg7[%swap3A], %swap3A_4 {strides = array<i32>} : memref<128xf32, #tpu.memory_space<vmem>>, vector<16xf32>,
    %swap3A_5 = arith.constant 16 : index
    %swap3A_6 = tpu.vector_load %arg7[%swap3A_5] {strides = array<i32>} : memref<128xf32, #tpu.memory_space<vmem>>, vector<16xf32>,
    %swap3A_7 = vector.shape_cast %swap3A_6 : vector<16xf32> to vector<16xf32>
    %swap3A_8 = vector.shape_cast %broadcast_in_dim3A_1 : vector<16xf32> to vector<16xf32>
    tpu.vector_store %arg7[%swap3A_5], %swap3A_8 {strides = array<i32>} : memref<128xf32, #tpu.memory_space<vmem>>, vector<16xf32>,
    %swap3A_9 = arith.constant 32 : index
    %swap3A_10 = tpu.vector_load %arg7[%swap3A_9] {strides = array<i32>} : memref<128xf32, #tpu.memory_space<vmem>>, vector<16xf32>,
    %swap3A_11 = vector.shape_cast %swap3A_10 : vector<16xf32> to vector<16xf32>
    %swap3A_12 = vector.shape_cast %broadcast_in_dim3A_1 : vector<16xf32> to vector<16xf32>
    tpu.vector_store %arg7[%swap3A_9], %swap3A_12 {strides = array<i32>} : memref<128xf32, #tpu.memory_space<vmem>>, vector<16xf32>,
    %swap3A_13 = arith.constant 48 : index
    %swap3A_14 = tpu.vector_load %arg7[%swap3A_13] {strides = array<i32>} : memref<128xf32, #tpu.memory_space<vmem>>, vector<16xf32>,
    %swap3A_15 = vector.shape_cast %swap3A_14 : vector<16xf32> to vector<16xf32>
    %swap3A_16 = vector.shape_cast %broadcast_in_dim3A_1 : vector<16xf32> to vector<16xf32>
    tpu.vector_store %arg7[%swap3A_13], %swap3A_16 {strides = array<i32>} : memref<128xf32, #tpu.memory_space<vmem>>, vector<16xf32>,
    %swap3A_17 = arith.constant 64 : index
    %swap3A_18 = tpu.vector_load %arg7[%swap3A_17] {strides = array<i32>} : memref<128xf32, #tpu.memory_space<vmem>>, vector<16xf32>,
    %swap3A_19 = vector.shape_cast %swap3A_18 : vector<16xf32> to vector<16xf32>
    %swap3A_20 = vector.shape_cast %broadcast_in_dim3A_1 : vector<16xf32> to vector<16xf32>
    tpu.vector_store %arg7[%swap3A_17], %swap3A_20 {strides = array<i32>} : memref<128xf32, #tpu.memory_space<vmem>>, vector<16xf32>,
    %swap3A_21 = arith.constant 80 : index
    %swap3A_22 = tpu.vector_load %arg7[%swap3A_21] {strides = array<i32>} : memref<128xf32, #tpu.memory_space<vmem>>, vector<16xf32>,
    %swap3A_23 = vector.shape_cast %swap3A_22 : vector<16xf32> to vector<16xf32>
    %swap3A_24 = vector.shape_cast %broadcast_in_dim3A_1 : vector<16xf32> to vector<16xf32>
    tpu.vector_store %arg7[%swap3A_21], %swap3A_24 {strides = array<i32>} : memref<128xf32, #tpu.memory_space<vmem>>, vector<16xf32>,
    %swap3A_25 = arith.constant 96 : index
    %swap3A_26 = tpu.vector_load %arg7[%swap3A_25] {strides = array<i32>} : memref<128xf32, #tpu.memory_space<vmem>>, vector<16xf32>,
    %swap3A_27 = vector.shape_cast %swap3A_26 : vector<16xf32> to vector<16xf32>
    %swap3A_28 = vector.shape_cast %broadcast_in_dim3A_1 : vector<16xf32> to vector<16xf32>
    tpu.vector_store %arg7[%swap3A_25], %swap3A_28 {strides = array<i32>} : memref<128xf32, #tpu.memory_space<vmem>>, vector<16xf32>,
    %swap3A_29 = arith.constant 112 : index
    %swap3A_30 = tpu.vector_load %arg7[%swap3A_29] {strides = array<i32>} : memref<128xf32, #tpu.memory_space<vmem>>, vector<16xf32>,
    %swap3A_31 = vector.shape_cast %swap3A_30 : vector<16xf32> to vector<16xf32>
    %swap3A_32 = vector.shape_cast %broadcast_in_dim3A_1 : vector<16xf32> to vector<16xf32>
    tpu.vector_store %arg7[%swap3A_29], %swap3A_32 {strides = array<i32>} : memref<128xf32, #tpu.memory_space<vmem>>, vector<16xf32>,
    %lt3A = arith.constant 25 : i32
    %lt3A_33 = arith.cmpi slt, %add3A, %lt3A : i32
    %convert_element_type3A = arith.extui %lt3A_33 : i1 to i32
    %cond3A = arith.constant 0 : i32
    %cond3A_34 = arith.cmpi ne, %convert_element_type3A, %cond3A : i32
    scf.if %cond3A_34 {
      %mul3A_35 = arith.constant 8 : i32
      %mul3A_36 = arith.muli %add3A, %mul3A_35 : i32
      "tpu.region"() ({
        %run_scoped3A = tpu.sem_alloc : memref<!tpu.dma_semaphore, #tpu.memory_space<semaphore_mem>>
        %dma_start3A_448 = tpu.memref_slice %arg2[%mul3A_36] : memref<200xi32, #tpu.memory_space<hbm>> -> memref<8xi32, #tpu.memory_space<hbm>>
        %dma_start3A_449 = tpu.memref_slice %arg2[%mul3A_36] : memref<200xi32, #tpu.memory_space<hbm>> -> memref<8xi32, #tpu.memory_space<hbm>>
        tpu.enqueue_dma source(%dma_start3A_449 : memref<8xi32, #tpu.memory_space<hbm>>) target(%arg5 : memref<8xi32, #tpu.memory_space<vmem>>) target_semaphore(%run_scoped3A : memref<!tpu.dma_semaphore, #tpu.memory_space<semaphore_mem>>)
        %dma_wait3A_450 = tpu.memref_slice %arg2[%mul3A_36] : memref<200xi32, #tpu.memory_space<hbm>> -> memref<8xi32, #tpu.memory_space<hbm>>
        %dma_wait3A_451 = tpu.memref_slice %arg2[%mul3A_36] : memref<200xi32, #tpu.memory_space<hbm>> -> memref<8xi32, #tpu.memory_space<hbm>>
        tpu.wait_dma2 semaphore(%run_scoped3A : memref<!tpu.dma_semaphore, #tpu.memory_space<semaphore_mem>>) src(%dma_wait3A_451 : memref<8xi32, #tpu.memory_space<hbm>>) dst(%arg5 : memref<8xi32, #tpu.memory_space<vmem>>)
        tpu.yield
      }) : () -> ()
      %dma_start3A = arith.constant 0 : i32
      %dma_start3A_37 = arith.constant 0 : i32
      %dma_start3A_38 = tpu.memref_slice %arg3[%dma_start3A, %dma_start3A_37] : memref<100000x128xf32, #tpu.memory_space<hbm>> -> memref<100000x128xf32, #tpu.memory_space<hbm>>
      tpu.enqueue_indirect_dma source(%dma_start3A_38 : memref<100000x128xf32, #tpu.memory_space<hbm>>) target(%arg6 : memref<8x128xf32, #tpu.memory_space<vmem>>) offsets(%arg5 : memref<8xi32, #tpu.memory_space<vmem>>) semaphore(%arg8 : memref<!tpu.dma_semaphore, #tpu.memory_space<semaphore_mem>>)
      %dma_wait3A = arith.constant 0 : i32
      %dma_wait3A_39 = arith.constant 0 : i32
      %dma_wait3A_40 = tpu.memref_slice %arg3[%dma_wait3A, %dma_wait3A_39] : memref<100000x128xf32, #tpu.memory_space<hbm>> -> memref<100000x128xf32, #tpu.memory_space<hbm>>
      tpu.wait_indirect_dma semaphore(%arg8 : memref<!tpu.dma_semaphore, #tpu.memory_space<semaphore_mem>>) src(%dma_wait3A_40 : memref<100000x128xf32, #tpu.memory_space<hbm>>) dst(%arg6 : memref<8x128xf32, #tpu.memory_space<vmem>>)
      %get3A = arith.constant 0 : i32
      %get3A_41 = arith.index_cast %get3A : i32 to index
      %get3A_42 = arith.constant 0 : index
      %get3A_43 = tpu.vector_load %arg6[%get3A_41, %get3A_42] {strides = array<i32>} : memref<8x128xf32, #tpu.memory_space<vmem>>, vector<1x16xf32>,
      %get3A_44 = vector.shape_cast %get3A_43 : vector<1x16xf32> to vector<16xf32>
      %get3A_45 = arith.constant 1 : i32
      %get3A_46 = arith.index_cast %get3A_45 : i32 to index
      %get3A_47 = arith.constant 0 : index
      %get3A_48 = tpu.vector_load %arg6[%get3A_46, %get3A_47] {strides = array<i32>} : memref<8x128xf32, #tpu.memory_space<vmem>>, vector<1x16xf32>,
      %get3A_49 = vector.shape_cast %get3A_48 : vector<1x16xf32> to vector<16xf32>
      %add3A_50 = arith.addf %get3A_44, %get3A_49 : vector<16xf32>
      %get3A_51 = arith.constant 2 : i32
      %get3A_52 = arith.index_cast %get3A_51 : i32 to index
      %get3A_53 = arith.constant 0 : index
      %get3A_54 = tpu.vector_load %arg6[%get3A_52, %get3A_53] {strides = array<i32>} : memref<8x128xf32, #tpu.memory_space<vmem>>, vector<1x16xf32>,
      %get3A_55 = vector.shape_cast %get3A_54 : vector<1x16xf32> to vector<16xf32>
      %add3A_56 = arith.addf %add3A_50, %get3A_55 : vector<16xf32>
      %get3A_57 = arith.constant 3 : i32
      %get3A_58 = arith.index_cast %get3A_57 : i32 to index
      %get3A_59 = arith.constant 0 : index
      %get3A_60 = tpu.vector_load %arg6[%get3A_58, %get3A_59] {strides = array<i32>} : memref<8x128xf32, #tpu.memory_space<vmem>>, vector<1x16xf32>,
      %get3A_61 = vector.shape_cast %get3A_60 : vector<1x16xf32> to vector<16xf32>
      %add3A_62 = arith.addf %add3A_56, %get3A_61 : vector<16xf32>
      %get3A_63 = arith.constant 4 : i32
      %get3A_64 = arith.index_cast %get3A_63 : i32 to index
      %get3A_65 = arith.constant 0 : index
      %get3A_66 = tpu.vector_load %arg6[%get3A_64, %get3A_65] {strides = array<i32>} : memref<8x128xf32, #tpu.memory_space<vmem>>, vector<1x16xf32>,
      %get3A_67 = vector.shape_cast %get3A_66 : vector<1x16xf32> to vector<16xf32>
      %add3A_68 = arith.addf %add3A_62, %get3A_67 : vector<16xf32>
      %get3A_69 = arith.constant 5 : i32
      %get3A_70 = arith.index_cast %get3A_69 : i32 to index
      %get3A_71 = arith.constant 0 : index
      %get3A_72 = tpu.vector_load %arg6[%get3A_70, %get3A_71] {strides = array<i32>} : memref<8x128xf32, #tpu.memory_space<vmem>>, vector<1x16xf32>,
      %get3A_73 = vector.shape_cast %get3A_72 : vector<1x16xf32> to vector<16xf32>
      %add3A_74 = arith.addf %add3A_68, %get3A_73 : vector<16xf32>
      %get3A_75 = arith.constant 6 : i32
      %get3A_76 = arith.index_cast %get3A_75 : i32 to index
      %get3A_77 = arith.constant 0 : index
      %get3A_78 = tpu.vector_load %arg6[%get3A_76, %get3A_77] {strides = array<i32>} : memref<8x128xf32, #tpu.memory_space<vmem>>, vector<1x16xf32>,
      %get3A_79 = vector.shape_cast %get3A_78 : vector<1x16xf32> to vector<16xf32>
      %add3A_80 = arith.addf %add3A_74, %get3A_79 : vector<16xf32>
      %get3A_81 = arith.constant 7 : i32
      %get3A_82 = arith.index_cast %get3A_81 : i32 to index
      %get3A_83 = arith.constant 0 : index
      %get3A_84 = tpu.vector_load %arg6[%get3A_82, %get3A_83] {strides = array<i32>} : memref<8x128xf32, #tpu.memory_space<vmem>>, vector<1x16xf32>,
      %get3A_85 = vector.shape_cast %get3A_84 : vector<1x16xf32> to vector<16xf32>
      %add3A_86 = arith.addf %add3A_80, %get3A_85 : vector<16xf32>
      %swap3A_87 = arith.constant 0 : index
      %swap3A_88 = tpu.vector_load %arg7[%swap3A_87] {strides = array<i32>} : memref<128xf32, #tpu.memory_space<vmem>>, vector<16xf32>,
      %swap3A_89 = vector.shape_cast %swap3A_88 : vector<16xf32> to vector<16xf32>
      %swap3A_90 = vector.shape_cast %add3A_86 : vector<16xf32> to vector<16xf32>
      tpu.vector_store %arg7[%swap3A_87], %swap3A_90 {strides = array<i32>} : memref<128xf32, #tpu.memory_space<vmem>>, vector<16xf32>,
      %get3A_91 = arith.constant 0 : i32
      %get3A_92 = arith.index_cast %get3A_91 : i32 to index
      %get3A_93 = arith.constant 16 : index
      %get3A_94 = tpu.vector_load %arg6[%get3A_92, %get3A_93] {strides = array<i32>} : memref<8x128xf32, #tpu.memory_space<vmem>>, vector<1x16xf32>,
      %get3A_95 = vector.shape_cast %get3A_94 : vector<1x16xf32> to vector<16xf32>
      %get3A_96 = arith.constant 1 : i32
      %get3A_97 = arith.index_cast %get3A_96 : i32 to index
      %get3A_98 = arith.constant 16 : index
      %get3A_99 = tpu.vector_load %arg6[%get3A_97, %get3A_98] {strides = array<i32>} : memref<8x128xf32, #tpu.memory_space<vmem>>, vector<1x16xf32>,
      %get3A_100 = vector.shape_cast %get3A_99 : vector<1x16xf32> to vector<16xf32>
      %add3A_101 = arith.addf %get3A_95, %get3A_100 : vector<16xf32>
      %get3A_102 = arith.constant 2 : i32
      %get3A_103 = arith.index_cast %get3A_102 : i32 to index
      %get3A_104 = arith.constant 16 : index
      %get3A_105 = tpu.vector_load %arg6[%get3A_103, %get3A_104] {strides = array<i32>} : memref<8x128xf32, #tpu.memory_space<vmem>>, vector<1x16xf32>,
      %get3A_106 = vector.shape_cast %get3A_105 : vector<1x16xf32> to vector<16xf32>
      %add3A_107 = arith.addf %add3A_101, %get3A_106 : vector<16xf32>
      %get3A_108 = arith.constant 3 : i32
      %get3A_109 = arith.index_cast %get3A_108 : i32 to index
      %get3A_110 = arith.constant 16 : index
      %get3A_111 = tpu.vector_load %arg6[%get3A_109, %get3A_110] {strides = array<i32>} : memref<8x128xf32, #tpu.memory_space<vmem>>, vector<1x16xf32>,
      %get3A_112 = vector.shape_cast %get3A_111 : vector<1x16xf32> to vector<16xf32>
      %add3A_113 = arith.addf %add3A_107, %get3A_112 : vector<16xf32>
      %get3A_114 = arith.constant 4 : i32
      %get3A_115 = arith.index_cast %get3A_114 : i32 to index
      %get3A_116 = arith.constant 16 : index
      %get3A_117 = tpu.vector_load %arg6[%get3A_115, %get3A_116] {strides = array<i32>} : memref<8x128xf32, #tpu.memory_space<vmem>>, vector<1x16xf32>,
      %get3A_118 = vector.shape_cast %get3A_117 : vector<1x16xf32> to vector<16xf32>
      %add3A_119 = arith.addf %add3A_113, %get3A_118 : vector<16xf32>
      %get3A_120 = arith.constant 5 : i32
      %get3A_121 = arith.index_cast %get3A_120 : i32 to index
      %get3A_122 = arith.constant 16 : index
      %get3A_123 = tpu.vector_load %arg6[%get3A_121, %get3A_122] {strides = array<i32>} : memref<8x128xf32, #tpu.memory_space<vmem>>, vector<1x16xf32>,
      %get3A_124 = vector.shape_cast %get3A_123 : vector<1x16xf32> to vector<16xf32>
      %add3A_125 = arith.addf %add3A_119, %get3A_124 : vector<16xf32>
      %get3A_126 = arith.constant 6 : i32
      %get3A_127 = arith.index_cast %get3A_126 : i32 to index
      %get3A_128 = arith.constant 16 : index
      %get3A_129 = tpu.vector_load %arg6[%get3A_127, %get3A_128] {strides = array<i32>} : memref<8x128xf32, #tpu.memory_space<vmem>>, vector<1x16xf32>,
      %get3A_130 = vector.shape_cast %get3A_129 : vector<1x16xf32> to vector<16xf32>
      %add3A_131 = arith.addf %add3A_125, %get3A_130 : vector<16xf32>
      %get3A_132 = arith.constant 7 : i32
      %get3A_133 = arith.index_cast %get3A_132 : i32 to index
      %get3A_134 = arith.constant 16 : index
      %get3A_135 = tpu.vector_load %arg6[%get3A_133, %get3A_134] {strides = array<i32>} : memref<8x128xf32, #tpu.memory_space<vmem>>, vector<1x16xf32>,
      %get3A_136 = vector.shape_cast %get3A_135 : vector<1x16xf32> to vector<16xf32>
      %add3A_137 = arith.addf %add3A_131, %get3A_136 : vector<16xf32>
      %swap3A_138 = arith.constant 16 : index
      %swap3A_139 = tpu.vector_load %arg7[%swap3A_138] {strides = array<i32>} : memref<128xf32, #tpu.memory_space<vmem>>, vector<16xf32>,
      %swap3A_140 = vector.shape_cast %swap3A_139 : vector<16xf32> to vector<16xf32>
      %swap3A_141 = vector.shape_cast %add3A_137 : vector<16xf32> to vector<16xf32>
      tpu.vector_store %arg7[%swap3A_138], %swap3A_141 {strides = array<i32>} : memref<128xf32, #tpu.memory_space<vmem>>, vector<16xf32>,
      %get3A_142 = arith.constant 0 : i32
      %get3A_143 = arith.index_cast %get3A_142 : i32 to index
      %get3A_144 = arith.constant 32 : index
      %get3A_145 = tpu.vector_load %arg6[%get3A_143, %get3A_144] {strides = array<i32>} : memref<8x128xf32, #tpu.memory_space<vmem>>, vector<1x16xf32>,
      %get3A_146 = vector.shape_cast %get3A_145 : vector<1x16xf32> to vector<16xf32>
      %get3A_147 = arith.constant 1 : i32
      %get3A_148 = arith.index_cast %get3A_147 : i32 to index
      %get3A_149 = arith.constant 32 : index
      %get3A_150 = tpu.vector_load %arg6[%get3A_148, %get3A_149] {strides = array<i32>} : memref<8x128xf32, #tpu.memory_space<vmem>>, vector<1x16xf32>,
      %get3A_151 = vector.shape_cast %get3A_150 : vector<1x16xf32> to vector<16xf32>
      %add3A_152 = arith.addf %get3A_146, %get3A_151 : vector<16xf32>
      %get3A_153 = arith.constant 2 : i32
      %get3A_154 = arith.index_cast %get3A_153 : i32 to index
      %get3A_155 = arith.constant 32 : index
      %get3A_156 = tpu.vector_load %arg6[%get3A_154, %get3A_155] {strides = array<i32>} : memref<8x128xf32, #tpu.memory_space<vmem>>, vector<1x16xf32>,
      %get3A_157 = vector.shape_cast %get3A_156 : vector<1x16xf32> to vector<16xf32>
      %add3A_158 = arith.addf %add3A_152, %get3A_157 : vector<16xf32>
      %get3A_159 = arith.constant 3 : i32
      %get3A_160 = arith.index_cast %get3A_159 : i32 to index
      %get3A_161 = arith.constant 32 : index
      %get3A_162 = tpu.vector_load %arg6[%get3A_160, %get3A_161] {strides = array<i32>} : memref<8x128xf32, #tpu.memory_space<vmem>>, vector<1x16xf32>,
      %get3A_163 = vector.shape_cast %get3A_162 : vector<1x16xf32> to vector<16xf32>
      %add3A_164 = arith.addf %add3A_158, %get3A_163 : vector<16xf32>
      %get3A_165 = arith.constant 4 : i32
      %get3A_166 = arith.index_cast %get3A_165 : i32 to index
      %get3A_167 = arith.constant 32 : index
      %get3A_168 = tpu.vector_load %arg6[%get3A_166, %get3A_167] {strides = array<i32>} : memref<8x128xf32, #tpu.memory_space<vmem>>, vector<1x16xf32>,
      %get3A_169 = vector.shape_cast %get3A_168 : vector<1x16xf32> to vector<16xf32>
      %add3A_170 = arith.addf %add3A_164, %get3A_169 : vector<16xf32>
      %get3A_171 = arith.constant 5 : i32
      %get3A_172 = arith.index_cast %get3A_171 : i32 to index
      %get3A_173 = arith.constant 32 : index
      %get3A_174 = tpu.vector_load %arg6[%get3A_172, %get3A_173] {strides = array<i32>} : memref<8x128xf32, #tpu.memory_space<vmem>>, vector<1x16xf32>,
      %get3A_175 = vector.shape_cast %get3A_174 : vector<1x16xf32> to vector<16xf32>
      %add3A_176 = arith.addf %add3A_170, %get3A_175 : vector<16xf32>
      %get3A_177 = arith.constant 6 : i32
      %get3A_178 = arith.index_cast %get3A_177 : i32 to index
      %get3A_179 = arith.constant 32 : index
      %get3A_180 = tpu.vector_load %arg6[%get3A_178, %get3A_179] {strides = array<i32>} : memref<8x128xf32, #tpu.memory_space<vmem>>, vector<1x16xf32>,
      %get3A_181 = vector.shape_cast %get3A_180 : vector<1x16xf32> to vector<16xf32>
      %add3A_182 = arith.addf %add3A_176, %get3A_181 : vector<16xf32>
      %get3A_183 = arith.constant 7 : i32
      %get3A_184 = arith.index_cast %get3A_183 : i32 to index
      %get3A_185 = arith.constant 32 : index
      %get3A_186 = tpu.vector_load %arg6[%get3A_184, %get3A_185] {strides = array<i32>} : memref<8x128xf32, #tpu.memory_space<vmem>>, vector<1x16xf32>,
      %get3A_187 = vector.shape_cast %get3A_186 : vector<1x16xf32> to vector<16xf32>
      %add3A_188 = arith.addf %add3A_182, %get3A_187 : vector<16xf32>
      %swap3A_189 = arith.constant 32 : index
      %swap3A_190 = tpu.vector_load %arg7[%swap3A_189] {strides = array<i32>} : memref<128xf32, #tpu.memory_space<vmem>>, vector<16xf32>,
      %swap3A_191 = vector.shape_cast %swap3A_190 : vector<16xf32> to vector<16xf32>
      %swap3A_192 = vector.shape_cast %add3A_188 : vector<16xf32> to vector<16xf32>
      tpu.vector_store %arg7[%swap3A_189], %swap3A_192 {strides = array<i32>} : memref<128xf32, #tpu.memory_space<vmem>>, vector<16xf32>,
      %get3A_193 = arith.constant 0 : i32
      %get3A_194 = arith.index_cast %get3A_193 : i32 to index
      %get3A_195 = arith.constant 48 : index
      %get3A_196 = tpu.vector_load %arg6[%get3A_194, %get3A_195] {strides = array<i32>} : memref<8x128xf32, #tpu.memory_space<vmem>>, vector<1x16xf32>,
      %get3A_197 = vector.shape_cast %get3A_196 : vector<1x16xf32> to vector<16xf32>
      %get3A_198 = arith.constant 1 : i32
      %get3A_199 = arith.index_cast %get3A_198 : i32 to index
      %get3A_200 = arith.constant 48 : index
      %get3A_201 = tpu.vector_load %arg6[%get3A_199, %get3A_200] {strides = array<i32>} : memref<8x128xf32, #tpu.memory_space<vmem>>, vector<1x16xf32>,
      %get3A_202 = vector.shape_cast %get3A_201 : vector<1x16xf32> to vector<16xf32>
      %add3A_203 = arith.addf %get3A_197, %get3A_202 : vector<16xf32>
      %get3A_204 = arith.constant 2 : i32
      %get3A_205 = arith.index_cast %get3A_204 : i32 to index
      %get3A_206 = arith.constant 48 : index
      %get3A_207 = tpu.vector_load %arg6[%get3A_205, %get3A_206] {strides = array<i32>} : memref<8x128xf32, #tpu.memory_space<vmem>>, vector<1x16xf32>,
      %get3A_208 = vector.shape_cast %get3A_207 : vector<1x16xf32> to vector<16xf32>
      %add3A_209 = arith.addf %add3A_203, %get3A_208 : vector<16xf32>
      %get3A_210 = arith.constant 3 : i32
      %get3A_211 = arith.index_cast %get3A_210 : i32 to index
      %get3A_212 = arith.constant 48 : index
      %get3A_213 = tpu.vector_load %arg6[%get3A_211, %get3A_212] {strides = array<i32>} : memref<8x128xf32, #tpu.memory_space<vmem>>, vector<1x16xf32>,
      %get3A_214 = vector.shape_cast %get3A_213 : vector<1x16xf32> to vector<16xf32>
      %add3A_215 = arith.addf %add3A_209, %get3A_214 : vector<16xf32>
      %get3A_216 = arith.constant 4 : i32
      %get3A_217 = arith.index_cast %get3A_216 : i32 to index
      %get3A_218 = arith.constant 48 : index
      %get3A_219 = tpu.vector_load %arg6[%get3A_217, %get3A_218] {strides = array<i32>} : memref<8x128xf32, #tpu.memory_space<vmem>>, vector<1x16xf32>,
      %get3A_220 = vector.shape_cast %get3A_219 : vector<1x16xf32> to vector<16xf32>
      %add3A_221 = arith.addf %add3A_215, %get3A_220 : vector<16xf32>
      %get3A_222 = arith.constant 5 : i32
      %get3A_223 = arith.index_cast %get3A_222 : i32 to index
      %get3A_224 = arith.constant 48 : index
      %get3A_225 = tpu.vector_load %arg6[%get3A_223, %get3A_224] {strides = array<i32>} : memref<8x128xf32, #tpu.memory_space<vmem>>, vector<1x16xf32>,
      %get3A_226 = vector.shape_cast %get3A_225 : vector<1x16xf32> to vector<16xf32>
      %add3A_227 = arith.addf %add3A_221, %get3A_226 : vector<16xf32>
      %get3A_228 = arith.constant 6 : i32
      %get3A_229 = arith.index_cast %get3A_228 : i32 to index
      %get3A_230 = arith.constant 48 : index
      %get3A_231 = tpu.vector_load %arg6[%get3A_229, %get3A_230] {strides = array<i32>} : memref<8x128xf32, #tpu.memory_space<vmem>>, vector<1x16xf32>,
      %get3A_232 = vector.shape_cast %get3A_231 : vector<1x16xf32> to vector<16xf32>
      %add3A_233 = arith.addf %add3A_227, %get3A_232 : vector<16xf32>
      %get3A_234 = arith.constant 7 : i32
      %get3A_235 = arith.index_cast %get3A_234 : i32 to index
      %get3A_236 = arith.constant 48 : index
      %get3A_237 = tpu.vector_load %arg6[%get3A_235, %get3A_236] {strides = array<i32>} : memref<8x128xf32, #tpu.memory_space<vmem>>, vector<1x16xf32>,
      %get3A_238 = vector.shape_cast %get3A_237 : vector<1x16xf32> to vector<16xf32>
      %add3A_239 = arith.addf %add3A_233, %get3A_238 : vector<16xf32>
      %swap3A_240 = arith.constant 48 : index
      %swap3A_241 = tpu.vector_load %arg7[%swap3A_240] {strides = array<i32>} : memref<128xf32, #tpu.memory_space<vmem>>, vector<16xf32>,
      %swap3A_242 = vector.shape_cast %swap3A_241 : vector<16xf32> to vector<16xf32>
      %swap3A_243 = vector.shape_cast %add3A_239 : vector<16xf32> to vector<16xf32>
      tpu.vector_store %arg7[%swap3A_240], %swap3A_243 {strides = array<i32>} : memref<128xf32, #tpu.memory_space<vmem>>, vector<16xf32>,
      %get3A_244 = arith.constant 0 : i32
      %get3A_245 = arith.index_cast %get3A_244 : i32 to index
      %get3A_246 = arith.constant 64 : index
      %get3A_247 = tpu.vector_load %arg6[%get3A_245, %get3A_246] {strides = array<i32>} : memref<8x128xf32, #tpu.memory_space<vmem>>, vector<1x16xf32>,
      %get3A_248 = vector.shape_cast %get3A_247 : vector<1x16xf32> to vector<16xf32>
      %get3A_249 = arith.constant 1 : i32
      %get3A_250 = arith.index_cast %get3A_249 : i32 to index
      %get3A_251 = arith.constant 64 : index
      %get3A_252 = tpu.vector_load %arg6[%get3A_250, %get3A_251] {strides = array<i32>} : memref<8x128xf32, #tpu.memory_space<vmem>>, vector<1x16xf32>,
      %get3A_253 = vector.shape_cast %get3A_252 : vector<1x16xf32> to vector<16xf32>
      %add3A_254 = arith.addf %get3A_248, %get3A_253 : vector<16xf32>
      %get3A_255 = arith.constant 2 : i32
      %get3A_256 = arith.index_cast %get3A_255 : i32 to index
      %get3A_257 = arith.constant 64 : index
      %get3A_258 = tpu.vector_load %arg6[%get3A_256, %get3A_257] {strides = array<i32>} : memref<8x128xf32, #tpu.memory_space<vmem>>, vector<1x16xf32>,
      %get3A_259 = vector.shape_cast %get3A_258 : vector<1x16xf32> to vector<16xf32>
      %add3A_260 = arith.addf %add3A_254, %get3A_259 : vector<16xf32>
      %get3A_261 = arith.constant 3 : i32
      %get3A_262 = arith.index_cast %get3A_261 : i32 to index
      %get3A_263 = arith.constant 64 : index
      %get3A_264 = tpu.vector_load %arg6[%get3A_262, %get3A_263] {strides = array<i32>} : memref<8x128xf32, #tpu.memory_space<vmem>>, vector<1x16xf32>,
      %get3A_265 = vector.shape_cast %get3A_264 : vector<1x16xf32> to vector<16xf32>
      %add3A_266 = arith.addf %add3A_260, %get3A_265 : vector<16xf32>
      %get3A_267 = arith.constant 4 : i32
      %get3A_268 = arith.index_cast %get3A_267 : i32 to index
      %get3A_269 = arith.constant 64 : index
      %get3A_270 = tpu.vector_load %arg6[%get3A_268, %get3A_269] {strides = array<i32>} : memref<8x128xf32, #tpu.memory_space<vmem>>, vector<1x16xf32>,
      %get3A_271 = vector.shape_cast %get3A_270 : vector<1x16xf32> to vector<16xf32>
      %add3A_272 = arith.addf %add3A_266, %get3A_271 : vector<16xf32>
      %get3A_273 = arith.constant 5 : i32
      %get3A_274 = arith.index_cast %get3A_273 : i32 to index
      %get3A_275 = arith.constant 64 : index
      %get3A_276 = tpu.vector_load %arg6[%get3A_274, %get3A_275] {strides = array<i32>} : memref<8x128xf32, #tpu.memory_space<vmem>>, vector<1x16xf32>,
      %get3A_277 = vector.shape_cast %get3A_276 : vector<1x16xf32> to vector<16xf32>
      %add3A_278 = arith.addf %add3A_272, %get3A_277 : vector<16xf32>
      %get3A_279 = arith.constant 6 : i32
      %get3A_280 = arith.index_cast %get3A_279 : i32 to index
      %get3A_281 = arith.constant 64 : index
      %get3A_282 = tpu.vector_load %arg6[%get3A_280, %get3A_281] {strides = array<i32>} : memref<8x128xf32, #tpu.memory_space<vmem>>, vector<1x16xf32>,
      %get3A_283 = vector.shape_cast %get3A_282 : vector<1x16xf32> to vector<16xf32>
      %add3A_284 = arith.addf %add3A_278, %get3A_283 : vector<16xf32>
      %get3A_285 = arith.constant 7 : i32
      %get3A_286 = arith.index_cast %get3A_285 : i32 to index
      %get3A_287 = arith.constant 64 : index
      %get3A_288 = tpu.vector_load %arg6[%get3A_286, %get3A_287] {strides = array<i32>} : memref<8x128xf32, #tpu.memory_space<vmem>>, vector<1x16xf32>,
      %get3A_289 = vector.shape_cast %get3A_288 : vector<1x16xf32> to vector<16xf32>
      %add3A_290 = arith.addf %add3A_284, %get3A_289 : vector<16xf32>
      %swap3A_291 = arith.constant 64 : index
      %swap3A_292 = tpu.vector_load %arg7[%swap3A_291] {strides = array<i32>} : memref<128xf32, #tpu.memory_space<vmem>>, vector<16xf32>,
      %swap3A_293 = vector.shape_cast %swap3A_292 : vector<16xf32> to vector<16xf32>
      %swap3A_294 = vector.shape_cast %add3A_290 : vector<16xf32> to vector<16xf32>
      tpu.vector_store %arg7[%swap3A_291], %swap3A_294 {strides = array<i32>} : memref<128xf32, #tpu.memory_space<vmem>>, vector<16xf32>,
      %get3A_295 = arith.constant 0 : i32
      %get3A_296 = arith.index_cast %get3A_295 : i32 to index
      %get3A_297 = arith.constant 80 : index
      %get3A_298 = tpu.vector_load %arg6[%get3A_296, %get3A_297] {strides = array<i32>} : memref<8x128xf32, #tpu.memory_space<vmem>>, vector<1x16xf32>,
      %get3A_299 = vector.shape_cast %get3A_298 : vector<1x16xf32> to vector<16xf32>
      %get3A_300 = arith.constant 1 : i32
      %get3A_301 = arith.index_cast %get3A_300 : i32 to index
      %get3A_302 = arith.constant 80 : index
      %get3A_303 = tpu.vector_load %arg6[%get3A_301, %get3A_302] {strides = array<i32>} : memref<8x128xf32, #tpu.memory_space<vmem>>, vector<1x16xf32>,
      %get3A_304 = vector.shape_cast %get3A_303 : vector<1x16xf32> to vector<16xf32>
      %add3A_305 = arith.addf %get3A_299, %get3A_304 : vector<16xf32>
      %get3A_306 = arith.constant 2 : i32
      %get3A_307 = arith.index_cast %get3A_306 : i32 to index
      %get3A_308 = arith.constant 80 : index
      %get3A_309 = tpu.vector_load %arg6[%get3A_307, %get3A_308] {strides = array<i32>} : memref<8x128xf32, #tpu.memory_space<vmem>>, vector<1x16xf32>,
      %get3A_310 = vector.shape_cast %get3A_309 : vector<1x16xf32> to vector<16xf32>
      %add3A_311 = arith.addf %add3A_305, %get3A_310 : vector<16xf32>
      %get3A_312 = arith.constant 3 : i32
      %get3A_313 = arith.index_cast %get3A_312 : i32 to index
      %get3A_314 = arith.constant 80 : index
      %get3A_315 = tpu.vector_load %arg6[%get3A_313, %get3A_314] {strides = array<i32>} : memref<8x128xf32, #tpu.memory_space<vmem>>, vector<1x16xf32>,
      %get3A_316 = vector.shape_cast %get3A_315 : vector<1x16xf32> to vector<16xf32>
      %add3A_317 = arith.addf %add3A_311, %get3A_316 : vector<16xf32>
      %get3A_318 = arith.constant 4 : i32
      %get3A_319 = arith.index_cast %get3A_318 : i32 to index
      %get3A_320 = arith.constant 80 : index
      %get3A_321 = tpu.vector_load %arg6[%get3A_319, %get3A_320] {strides = array<i32>} : memref<8x128xf32, #tpu.memory_space<vmem>>, vector<1x16xf32>,
      %get3A_322 = vector.shape_cast %get3A_321 : vector<1x16xf32> to vector<16xf32>
      %add3A_323 = arith.addf %add3A_317, %get3A_322 : vector<16xf32>
      %get3A_324 = arith.constant 5 : i32
      %get3A_325 = arith.index_cast %get3A_324 : i32 to index
      %get3A_326 = arith.constant 80 : index
      %get3A_327 = tpu.vector_load %arg6[%get3A_325, %get3A_326] {strides = array<i32>} : memref<8x128xf32, #tpu.memory_space<vmem>>, vector<1x16xf32>,
      %get3A_328 = vector.shape_cast %get3A_327 : vector<1x16xf32> to vector<16xf32>
      %add3A_329 = arith.addf %add3A_323, %get3A_328 : vector<16xf32>
      %get3A_330 = arith.constant 6 : i32
      %get3A_331 = arith.index_cast %get3A_330 : i32 to index
      %get3A_332 = arith.constant 80 : index
      %get3A_333 = tpu.vector_load %arg6[%get3A_331, %get3A_332] {strides = array<i32>} : memref<8x128xf32, #tpu.memory_space<vmem>>, vector<1x16xf32>,
      %get3A_334 = vector.shape_cast %get3A_333 : vector<1x16xf32> to vector<16xf32>
      %add3A_335 = arith.addf %add3A_329, %get3A_334 : vector<16xf32>
      %get3A_336 = arith.constant 7 : i32
      %get3A_337 = arith.index_cast %get3A_336 : i32 to index
      %get3A_338 = arith.constant 80 : index
      %get3A_339 = tpu.vector_load %arg6[%get3A_337, %get3A_338] {strides = array<i32>} : memref<8x128xf32, #tpu.memory_space<vmem>>, vector<1x16xf32>,
      %get3A_340 = vector.shape_cast %get3A_339 : vector<1x16xf32> to vector<16xf32>
      %add3A_341 = arith.addf %add3A_335, %get3A_340 : vector<16xf32>
      %swap3A_342 = arith.constant 80 : index
      %swap3A_343 = tpu.vector_load %arg7[%swap3A_342] {strides = array<i32>} : memref<128xf32, #tpu.memory_space<vmem>>, vector<16xf32>,
      %swap3A_344 = vector.shape_cast %swap3A_343 : vector<16xf32> to vector<16xf32>
      %swap3A_345 = vector.shape_cast %add3A_341 : vector<16xf32> to vector<16xf32>
      tpu.vector_store %arg7[%swap3A_342], %swap3A_345 {strides = array<i32>} : memref<128xf32, #tpu.memory_space<vmem>>, vector<16xf32>,
      %get3A_346 = arith.constant 0 : i32
      %get3A_347 = arith.index_cast %get3A_346 : i32 to index
      %get3A_348 = arith.constant 96 : index
      %get3A_349 = tpu.vector_load %arg6[%get3A_347, %get3A_348] {strides = array<i32>} : memref<8x128xf32, #tpu.memory_space<vmem>>, vector<1x16xf32>,
      %get3A_350 = vector.shape_cast %get3A_349 : vector<1x16xf32> to vector<16xf32>
      %get3A_351 = arith.constant 1 : i32
      %get3A_352 = arith.index_cast %get3A_351 : i32 to index
      %get3A_353 = arith.constant 96 : index
      %get3A_354 = tpu.vector_load %arg6[%get3A_352, %get3A_353] {strides = array<i32>} : memref<8x128xf32, #tpu.memory_space<vmem>>, vector<1x16xf32>,
      %get3A_355 = vector.shape_cast %get3A_354 : vector<1x16xf32> to vector<16xf32>
      %add3A_356 = arith.addf %get3A_350, %get3A_355 : vector<16xf32>
      %get3A_357 = arith.constant 2 : i32
      %get3A_358 = arith.index_cast %get3A_357 : i32 to index
      %get3A_359 = arith.constant 96 : index
      %get3A_360 = tpu.vector_load %arg6[%get3A_358, %get3A_359] {strides = array<i32>} : memref<8x128xf32, #tpu.memory_space<vmem>>, vector<1x16xf32>,
      %get3A_361 = vector.shape_cast %get3A_360 : vector<1x16xf32> to vector<16xf32>
      %add3A_362 = arith.addf %add3A_356, %get3A_361 : vector<16xf32>
      %get3A_363 = arith.constant 3 : i32
      %get3A_364 = arith.index_cast %get3A_363 : i32 to index
      %get3A_365 = arith.constant 96 : index
      %get3A_366 = tpu.vector_load %arg6[%get3A_364, %get3A_365] {strides = array<i32>} : memref<8x128xf32, #tpu.memory_space<vmem>>, vector<1x16xf32>,
      %get3A_367 = vector.shape_cast %get3A_366 : vector<1x16xf32> to vector<16xf32>
      %add3A_368 = arith.addf %add3A_362, %get3A_367 : vector<16xf32>
      %get3A_369 = arith.constant 4 : i32
      %get3A_370 = arith.index_cast %get3A_369 : i32 to index
      %get3A_371 = arith.constant 96 : index
      %get3A_372 = tpu.vector_load %arg6[%get3A_370, %get3A_371] {strides = array<i32>} : memref<8x128xf32, #tpu.memory_space<vmem>>, vector<1x16xf32>,
      %get3A_373 = vector.shape_cast %get3A_372 : vector<1x16xf32> to vector<16xf32>
      %add3A_374 = arith.addf %add3A_368, %get3A_373 : vector<16xf32>
      %get3A_375 = arith.constant 5 : i32
      %get3A_376 = arith.index_cast %get3A_375 : i32 to index
      %get3A_377 = arith.constant 96 : index
      %get3A_378 = tpu.vector_load %arg6[%get3A_376, %get3A_377] {strides = array<i32>} : memref<8x128xf32, #tpu.memory_space<vmem>>, vector<1x16xf32>,
      %get3A_379 = vector.shape_cast %get3A_378 : vector<1x16xf32> to vector<16xf32>
      %add3A_380 = arith.addf %add3A_374, %get3A_379 : vector<16xf32>
      %get3A_381 = arith.constant 6 : i32
      %get3A_382 = arith.index_cast %get3A_381 : i32 to index
      %get3A_383 = arith.constant 96 : index
      %get3A_384 = tpu.vector_load %arg6[%get3A_382, %get3A_383] {strides = array<i32>} : memref<8x128xf32, #tpu.memory_space<vmem>>, vector<1x16xf32>,
      %get3A_385 = vector.shape_cast %get3A_384 : vector<1x16xf32> to vector<16xf32>
      %add3A_386 = arith.addf %add3A_380, %get3A_385 : vector<16xf32>
      %get3A_387 = arith.constant 7 : i32
      %get3A_388 = arith.index_cast %get3A_387 : i32 to index
      %get3A_389 = arith.constant 96 : index
      %get3A_390 = tpu.vector_load %arg6[%get3A_388, %get3A_389] {strides = array<i32>} : memref<8x128xf32, #tpu.memory_space<vmem>>, vector<1x16xf32>,
      %get3A_391 = vector.shape_cast %get3A_390 : vector<1x16xf32> to vector<16xf32>
      %add3A_392 = arith.addf %add3A_386, %get3A_391 : vector<16xf32>
      %swap3A_393 = arith.constant 96 : index
      %swap3A_394 = tpu.vector_load %arg7[%swap3A_393] {strides = array<i32>} : memref<128xf32, #tpu.memory_space<vmem>>, vector<16xf32>,
      %swap3A_395 = vector.shape_cast %swap3A_394 : vector<16xf32> to vector<16xf32>
      %swap3A_396 = vector.shape_cast %add3A_392 : vector<16xf32> to vector<16xf32>
      tpu.vector_store %arg7[%swap3A_393], %swap3A_396 {strides = array<i32>} : memref<128xf32, #tpu.memory_space<vmem>>, vector<16xf32>,
      %get3A_397 = arith.constant 0 : i32
      %get3A_398 = arith.index_cast %get3A_397 : i32 to index
      %get3A_399 = arith.constant 112 : index
      %get3A_400 = tpu.vector_load %arg6[%get3A_398, %get3A_399] {strides = array<i32>} : memref<8x128xf32, #tpu.memory_space<vmem>>, vector<1x16xf32>,
      %get3A_401 = vector.shape_cast %get3A_400 : vector<1x16xf32> to vector<16xf32>
      %get3A_402 = arith.constant 1 : i32
      %get3A_403 = arith.index_cast %get3A_402 : i32 to index
      %get3A_404 = arith.constant 112 : index
      %get3A_405 = tpu.vector_load %arg6[%get3A_403, %get3A_404] {strides = array<i32>} : memref<8x128xf32, #tpu.memory_space<vmem>>, vector<1x16xf32>,
      %get3A_406 = vector.shape_cast %get3A_405 : vector<1x16xf32> to vector<16xf32>
      %add3A_407 = arith.addf %get3A_401, %get3A_406 : vector<16xf32>
      %get3A_408 = arith.constant 2 : i32
      %get3A_409 = arith.index_cast %get3A_408 : i32 to index
      %get3A_410 = arith.constant 112 : index
      %get3A_411 = tpu.vector_load %arg6[%get3A_409, %get3A_410] {strides = array<i32>} : memref<8x128xf32, #tpu.memory_space<vmem>>, vector<1x16xf32>,
      %get3A_412 = vector.shape_cast %get3A_411 : vector<1x16xf32> to vector<16xf32>
      %add3A_413 = arith.addf %add3A_407, %get3A_412 : vector<16xf32>
      %get3A_414 = arith.constant 3 : i32
      %get3A_415 = arith.index_cast %get3A_414 : i32 to index
      %get3A_416 = arith.constant 112 : index
      %get3A_417 = tpu.vector_load %arg6[%get3A_415, %get3A_416] {strides = array<i32>} : memref<8x128xf32, #tpu.memory_space<vmem>>, vector<1x16xf32>,
      %get3A_418 = vector.shape_cast %get3A_417 : vector<1x16xf32> to vector<16xf32>
      %add3A_419 = arith.addf %add3A_413, %get3A_418 : vector<16xf32>
      %get3A_420 = arith.constant 4 : i32
      %get3A_421 = arith.index_cast %get3A_420 : i32 to index
      %get3A_422 = arith.constant 112 : index
      %get3A_423 = tpu.vector_load %arg6[%get3A_421, %get3A_422] {strides = array<i32>} : memref<8x128xf32, #tpu.memory_space<vmem>>, vector<1x16xf32>,
      %get3A_424 = vector.shape_cast %get3A_423 : vector<1x16xf32> to vector<16xf32>
      %add3A_425 = arith.addf %add3A_419, %get3A_424 : vector<16xf32>
      %get3A_426 = arith.constant 5 : i32
      %get3A_427 = arith.index_cast %get3A_426 : i32 to index
      %get3A_428 = arith.constant 112 : index
      %get3A_429 = tpu.vector_load %arg6[%get3A_427, %get3A_428] {strides = array<i32>} : memref<8x128xf32, #tpu.memory_space<vmem>>, vector<1x16xf32>,
      %get3A_430 = vector.shape_cast %get3A_429 : vector<1x16xf32> to vector<16xf32>
      %add3A_431 = arith.addf %add3A_425, %get3A_430 : vector<16xf32>
      %get3A_432 = arith.constant 6 : i32
      %get3A_433 = arith.index_cast %get3A_432 : i32 to index
      %get3A_434 = arith.constant 112 : index
      %get3A_435 = tpu.vector_load %arg6[%get3A_433, %get3A_434] {strides = array<i32>} : memref<8x128xf32, #tpu.memory_space<vmem>>, vector<1x16xf32>,
      %get3A_436 = vector.shape_cast %get3A_435 : vector<1x16xf32> to vector<16xf32>
      %add3A_437 = arith.addf %add3A_431, %get3A_436 : vector<16xf32>
      %get3A_438 = arith.constant 7 : i32
      %get3A_439 = arith.index_cast %get3A_438 : i32 to index
      %get3A_440 = arith.constant 112 : index
      %get3A_441 = tpu.vector_load %arg6[%get3A_439, %get3A_440] {strides = array<i32>} : memref<8x128xf32, #tpu.memory_space<vmem>>, vector<1x16xf32>,
      %get3A_442 = vector.shape_cast %get3A_441 : vector<1x16xf32> to vector<16xf32>
      %add3A_443 = arith.addf %add3A_437, %get3A_442 : vector<16xf32>
      %swap3A_444 = arith.constant 112 : index
      %swap3A_445 = tpu.vector_load %arg7[%swap3A_444] {strides = array<i32>} : memref<128xf32, #tpu.memory_space<vmem>>, vector<16xf32>,
      %swap3A_446 = vector.shape_cast %swap3A_445 : vector<16xf32> to vector<16xf32>
      %swap3A_447 = vector.shape_cast %add3A_443 : vector<16xf32> to vector<16xf32>
      tpu.vector_store %arg7[%swap3A_444], %swap3A_447 {strides = array<i32>} : memref<128xf32, #tpu.memory_space<vmem>>, vector<16xf32>,
    } else {
    }
    "tpu.region"() ({
      %run_scoped3A = tpu.sem_alloc : memref<!tpu.dma_semaphore, #tpu.memory_space<semaphore_mem>>
      %dma_start3A = arith.constant 0 : i32
      %dma_start3A_35 = tpu.memref_slice %arg4[%add3A, %dma_start3A] : memref<32x128xf32, #tpu.memory_space<hbm>> -> memref<1x128xf32, #tpu.memory_space<hbm>>
      %dma_start3A_36 = tpu.memref_squeeze %dma_start3A_35 : memref<1x128xf32, #tpu.memory_space<hbm>> -> memref<128xf32, #tpu.memory_space<hbm>>
      %dma_start3A_37 = arith.constant 0 : i32
      %dma_start3A_38 = tpu.memref_slice %arg4[%add3A, %dma_start3A_37] : memref<32x128xf32, #tpu.memory_space<hbm>> -> memref<1x128xf32, #tpu.memory_space<hbm>>
      %dma_start3A_39 = tpu.memref_squeeze %dma_start3A_38 : memref<1x128xf32, #tpu.memory_space<hbm>> -> memref<128xf32, #tpu.memory_space<hbm>>
      tpu.enqueue_dma source(%arg7 : memref<128xf32, #tpu.memory_space<vmem>>) target(%dma_start3A_39 : memref<128xf32, #tpu.memory_space<hbm>>) target_semaphore(%run_scoped3A : memref<!tpu.dma_semaphore, #tpu.memory_space<semaphore_mem>>)
      %dma_wait3A = arith.constant 0 : i32
      %dma_wait3A_40 = tpu.memref_slice %arg4[%add3A, %dma_wait3A] : memref<32x128xf32, #tpu.memory_space<hbm>> -> memref<1x128xf32, #tpu.memory_space<hbm>>
      %dma_wait3A_41 = tpu.memref_squeeze %dma_wait3A_40 : memref<1x128xf32, #tpu.memory_space<hbm>> -> memref<128xf32, #tpu.memory_space<hbm>>
      %dma_wait3A_42 = arith.constant 0 : i32
      %dma_wait3A_43 = tpu.memref_slice %arg4[%add3A, %dma_wait3A_42] : memref<32x128xf32, #tpu.memory_space<hbm>> -> memref<1x128xf32, #tpu.memory_space<hbm>>
      %dma_wait3A_44 = tpu.memref_squeeze %dma_wait3A_43 : memref<1x128xf32, #tpu.memory_space<hbm>> -> memref<128xf32, #tpu.memory_space<hbm>>
      tpu.wait_dma2 semaphore(%run_scoped3A : memref<!tpu.dma_semaphore, #tpu.memory_space<semaphore_mem>>) src(%arg7 : memref<128xf32, #tpu.memory_space<vmem>>) dst(%dma_wait3A_44 : memref<128xf32, #tpu.memory_space<hbm>>)
      tpu.yield
    }) : () -> ()
    return
  }
}

module attributes {stable_mosaic.version = 14 : i64} {
  func.func @_tc_body(%arg0: i32, %arg1: memref<32x128xf32, #tpu.memory_space<vmem>>, %arg2: memref<128x128xf32, #tpu.memory_space<vmem>>, %arg3: memref<1x128xf32, #tpu.memory_space<vmem>>, %arg4: memref<4000x128xf32, #tpu.memory_space<vmem>>, %arg5: memref<1x1x4000xf32, #tpu.memory_space<vmem>>, %arg6: memref<1x128xf32, #tpu.memory_space<vmem>>) attributes {dimension_semantics = [#tpu.dimension_semantics<arbitrary>], iteration_bounds = array<i64: 25>, scalar_prefetch = 0 : i64, scratch_operands = 1 : i64, tpu.core_type = #tpu.core_type<tc>, window_params = [{pipeline_mode = #tpu.pipeline_mode<synchronous>, transform_indices = @transform_0, window_bounds = array<i64: 32, 128>}, {pipeline_mode = #tpu.pipeline_mode<synchronous>, transform_indices = @transform_1, window_bounds = array<i64: 128, 128>}, {pipeline_mode = #tpu.pipeline_mode<synchronous>, transform_indices = @transform_2, window_bounds = array<i64: 1, 128>}, {transform_indices = @transform_3, window_bounds = array<i64: 4000, 128>}, {transform_indices = @transform_4, window_bounds = array<i64: 1, 1, 4000>}]} {
    %eq3A = arith.constant 0 : i32
    %eq3A_0 = arith.cmpi eq, %arg0, %eq3A : i32
    %convert_element_type3A = arith.extui %eq3A_0 : i1 to i32
    %cond3A = arith.constant 0 : i32
    %cond3A_1 = arith.cmpi ne, %convert_element_type3A, %cond3A : i32
    scf.if %cond3A_1 {
      %get3A_11 = arith.constant 0 : index
      %get3A_12 = arith.constant 0 : index
      %get3A_13 = vector.load %arg1[%get3A_11, %get3A_12] : memref<32x128xf32, #tpu.memory_space<vmem>>, vector<32x128xf32>
      %reduce_sum3A = arith.constant dense<0.000000e+00> : vector<128xf32>
      %reduce_sum3A_14 = vector.multi_reduction <add>, %get3A_13, %reduce_sum3A [0] : vector<32x128xf32> to vector<128xf32>
      %broadcast_in_dim3A_15 = vector.shape_cast %reduce_sum3A_14 : vector<128xf32> to vector<1x128xf32>
      %get3A_16 = arith.constant 0 : index
      %get3A_17 = arith.constant 0 : index
      %get3A_18 = vector.load %arg2[%get3A_16, %get3A_17] : memref<128x128xf32, #tpu.memory_space<vmem>>, vector<128x128xf32>
      %dot_general3A_19 = arith.constant dense<0.000000e+00> : vector<1x128xf32>
      %dot_general3A_20 = tpu.matmul %broadcast_in_dim3A_15, %get3A_18, %dot_general3A_19 {dimension_numbers = #tpu.dot_dimension_numbers<[1], [1], [0], [0], [0, 0, 1, 0], [], []>, transpose_lhs_hint = false} : vector<1x128xf32>, vector<128x128xf32>, vector<1x128xf32> -> vector<1x128xf32>
      %get3A_21 = arith.constant 0 : index
      %get3A_22 = arith.constant 0 : index
      %get3A_23 = vector.load %arg3[%get3A_21, %get3A_22] : memref<1x128xf32, #tpu.memory_space<vmem>>, vector<1x128xf32>
      %add3A = arith.addf %dot_general3A_20, %get3A_23 : vector<1x128xf32>
      %max3A = arith.constant 0.000000e+00 : f32
      %max3A_24 = vector.broadcast %max3A : f32 to vector<1x128xf32>
      %max3A_25 = arith.maximumf %add3A, %max3A_24 : vector<1x128xf32>
      %swap3A_26 = arith.constant 0 : index
      %swap3A_27 = arith.constant 0 : index
      %swap3A_28 = vector.load %arg6[%swap3A_26, %swap3A_27] : memref<1x128xf32, #tpu.memory_space<vmem>>, vector<1x128xf32>
      tpu.vector_store %arg6[%swap3A_26, %swap3A_27], %max3A_25 {strides = array<i32>} : memref<1x128xf32, #tpu.memory_space<vmem>>, vector<1x128xf32>,
    } else {
    }
    %get3A = arith.constant 0 : index
    %get3A_2 = arith.constant 0 : index
    %get3A_3 = vector.load %arg6[%get3A, %get3A_2] : memref<1x128xf32, #tpu.memory_space<vmem>>, vector<1x128xf32>
    %get3A_4 = arith.constant 0 : index
    %get3A_5 = arith.constant 0 : index
    %get3A_6 = vector.load %arg4[%get3A_4, %get3A_5] : memref<4000x128xf32, #tpu.memory_space<vmem>>, vector<4000x128xf32>
    %dot_general3A = arith.constant dense<0.000000e+00> : vector<1x4000xf32>
    %dot_general3A_7 = tpu.matmul %get3A_3, %get3A_6, %dot_general3A {dimension_numbers = #tpu.dot_dimension_numbers<[1], [1], [0], [0], [0, 0, 1, 0], [], []>, transpose_lhs_hint = false} : vector<1x128xf32>, vector<4000x128xf32>, vector<1x4000xf32> -> vector<1x4000xf32>
    %broadcast_in_dim3A = vector.shape_cast %dot_general3A_7 : vector<1x4000xf32> to vector<1x1x4000xf32>
    %swap3A = arith.constant 0 : index
    %swap3A_8 = arith.constant 0 : index
    %swap3A_9 = arith.constant 0 : index
    %swap3A_10 = vector.load %arg5[%swap3A, %swap3A_8, %swap3A_9] : memref<1x1x4000xf32, #tpu.memory_space<vmem>>, vector<1x1x4000xf32>
    tpu.vector_store %arg5[%swap3A, %swap3A_8, %swap3A_9], %broadcast_in_dim3A {strides = array<i32>} : memref<1x1x4000xf32, #tpu.memory_space<vmem>>, vector<1x1x4000xf32>,
    return
  }
  func.func @transform_0(%arg0: i32) -> (i32, i32) {
    %c0_i32 = arith.constant 0 : i32
    %c0_i32_0 = arith.constant 0 : i32
    %c0_i32_1 = arith.constant 0 : i32
    return %c0_i32, %c0_i32_0 : i32, i32
  }
  func.func @transform_1(%arg0: i32) -> (i32, i32) {
    %c0_i32 = arith.constant 0 : i32
    %c0_i32_0 = arith.constant 0 : i32
    %c0_i32_1 = arith.constant 0 : i32
    return %c0_i32, %c0_i32_0 : i32, i32
  }
  func.func @transform_2(%arg0: i32) -> (i32, i32) {
    %c0_i32 = arith.constant 0 : i32
    %c0_i32_0 = arith.constant 0 : i32
    %c0_i32_1 = arith.constant 0 : i32
    return %c0_i32, %c0_i32_0 : i32, i32
  }
  func.func @transform_3(%arg0: i32) -> (i32, i32) {
    %c0_i32 = arith.constant 0 : i32
    %c0_i32_0 = arith.constant 0 : i32
    return %arg0, %c0_i32 : i32, i32
  }
  func.func @transform_4(%arg0: i32) -> (i32, i32, i32) {
    %c0_i32 = arith.constant 0 : i32
    %c0_i32_0 = arith.constant 0 : i32
    %c0_i32_1 = arith.constant 0 : i32
    return %arg0, %c0_i32, %c0_i32_0 : i32, i32, i32
  }
}

module attributes {stable_mosaic.version = 14 : i64} {
  func.func @_merge_body(%arg0: memref<25x1x4000xf32, #tpu.memory_space<vmem>>, %arg1: memref<100000xf32, #tpu.memory_space<vmem>>, %arg2: memref<1x100000xf32, #tpu.memory_space<vmem>>) attributes {dimension_semantics = [], scalar_prefetch = 0 : i64, scratch_operands = 0 : i64, tpu.core_type = #tpu.core_type<tc>} {
    %get3A = arith.constant 0 : index
    %get3A_0 = arith.constant 0 : index
    %get3A_1 = arith.constant 0 : index
    %get3A_2 = vector.load %arg0[%get3A, %get3A_0, %get3A_1] : memref<25x1x4000xf32, #tpu.memory_space<vmem>>, vector<1x1x4000xf32>
    %get3A_3 = vector.shape_cast %get3A_2 : vector<1x1x4000xf32> to vector<1x4000xf32>
    %get3A_4 = arith.constant 0 : index
    %get3A_5 = vector.load %arg1[%get3A_4] : memref<100000xf32, #tpu.memory_space<vmem>>, vector<4000xf32>
    %broadcast_in_dim3A = vector.shape_cast %get3A_5 : vector<4000xf32> to vector<1x4000xf32>
    %add3A = arith.addf %get3A_3, %broadcast_in_dim3A : vector<1x4000xf32>
    %reduce_max3A = vector.shape_cast %add3A : vector<1x4000xf32> to vector<1x1x4000xf32>
    %reduce_max3A_6 = arith.constant dense<0xFF800000> : vector<1xf32>
    %reduce_max3A_7 = vector.multi_reduction <maximumf>, %reduce_max3A, %reduce_max3A_6 [1, 2] : vector<1x1x4000xf32> to vector<1xf32>
    %reduce_max3A_8 = vector.shape_cast %reduce_max3A_7 : vector<1xf32> to vector<1x1x1xf32>
    %reduce_max3A_9 = vector.extract %reduce_max3A_8[0, 0, 0] : f32 from vector<1x1x1xf32>
    %get3A_10 = arith.constant 1 : index
    %get3A_11 = arith.constant 0 : index
    %get3A_12 = arith.constant 0 : index
    %get3A_13 = vector.load %arg0[%get3A_10, %get3A_11, %get3A_12] : memref<25x1x4000xf32, #tpu.memory_space<vmem>>, vector<1x1x4000xf32>
    %get3A_14 = vector.shape_cast %get3A_13 : vector<1x1x4000xf32> to vector<1x4000xf32>
    %get3A_15 = arith.constant 4000 : index
    %get3A_16 = vector.load %arg1[%get3A_15] : memref<100000xf32, #tpu.memory_space<vmem>>, vector<4000xf32>
    %broadcast_in_dim3A_17 = vector.shape_cast %get3A_16 : vector<4000xf32> to vector<1x4000xf32>
    %add3A_18 = arith.addf %get3A_14, %broadcast_in_dim3A_17 : vector<1x4000xf32>
    %reduce_max3A_19 = vector.shape_cast %add3A_18 : vector<1x4000xf32> to vector<1x1x4000xf32>
    %reduce_max3A_20 = arith.constant dense<0xFF800000> : vector<1xf32>
    %reduce_max3A_21 = vector.multi_reduction <maximumf>, %reduce_max3A_19, %reduce_max3A_20 [1, 2] : vector<1x1x4000xf32> to vector<1xf32>
    %reduce_max3A_22 = vector.shape_cast %reduce_max3A_21 : vector<1xf32> to vector<1x1x1xf32>
    %reduce_max3A_23 = vector.extract %reduce_max3A_22[0, 0, 0] : f32 from vector<1x1x1xf32>
    %max3A = arith.maximumf %reduce_max3A_9, %reduce_max3A_23 : f32
    %get3A_24 = arith.constant 2 : index
    %get3A_25 = arith.constant 0 : index
    %get3A_26 = arith.constant 0 : index
    %get3A_27 = vector.load %arg0[%get3A_24, %get3A_25, %get3A_26] : memref<25x1x4000xf32, #tpu.memory_space<vmem>>, vector<1x1x4000xf32>
    %get3A_28 = vector.shape_cast %get3A_27 : vector<1x1x4000xf32> to vector<1x4000xf32>
    %get3A_29 = arith.constant 8000 : index
    %get3A_30 = vector.load %arg1[%get3A_29] : memref<100000xf32, #tpu.memory_space<vmem>>, vector<4000xf32>
    %broadcast_in_dim3A_31 = vector.shape_cast %get3A_30 : vector<4000xf32> to vector<1x4000xf32>
    %add3A_32 = arith.addf %get3A_28, %broadcast_in_dim3A_31 : vector<1x4000xf32>
    %reduce_max3A_33 = vector.shape_cast %add3A_32 : vector<1x4000xf32> to vector<1x1x4000xf32>
    %reduce_max3A_34 = arith.constant dense<0xFF800000> : vector<1xf32>
    %reduce_max3A_35 = vector.multi_reduction <maximumf>, %reduce_max3A_33, %reduce_max3A_34 [1, 2] : vector<1x1x4000xf32> to vector<1xf32>
    %reduce_max3A_36 = vector.shape_cast %reduce_max3A_35 : vector<1xf32> to vector<1x1x1xf32>
    %reduce_max3A_37 = vector.extract %reduce_max3A_36[0, 0, 0] : f32 from vector<1x1x1xf32>
    %max3A_38 = arith.maximumf %max3A, %reduce_max3A_37 : f32
    %get3A_39 = arith.constant 3 : index
    %get3A_40 = arith.constant 0 : index
    %get3A_41 = arith.constant 0 : index
    %get3A_42 = vector.load %arg0[%get3A_39, %get3A_40, %get3A_41] : memref<25x1x4000xf32, #tpu.memory_space<vmem>>, vector<1x1x4000xf32>
    %get3A_43 = vector.shape_cast %get3A_42 : vector<1x1x4000xf32> to vector<1x4000xf32>
    %get3A_44 = arith.constant 12000 : index
    %get3A_45 = vector.load %arg1[%get3A_44] : memref<100000xf32, #tpu.memory_space<vmem>>, vector<4000xf32>
    %broadcast_in_dim3A_46 = vector.shape_cast %get3A_45 : vector<4000xf32> to vector<1x4000xf32>
    %add3A_47 = arith.addf %get3A_43, %broadcast_in_dim3A_46 : vector<1x4000xf32>
    %reduce_max3A_48 = vector.shape_cast %add3A_47 : vector<1x4000xf32> to vector<1x1x4000xf32>
    %reduce_max3A_49 = arith.constant dense<0xFF800000> : vector<1xf32>
    %reduce_max3A_50 = vector.multi_reduction <maximumf>, %reduce_max3A_48, %reduce_max3A_49 [1, 2] : vector<1x1x4000xf32> to vector<1xf32>
    %reduce_max3A_51 = vector.shape_cast %reduce_max3A_50 : vector<1xf32> to vector<1x1x1xf32>
    %reduce_max3A_52 = vector.extract %reduce_max3A_51[0, 0, 0] : f32 from vector<1x1x1xf32>
    %max3A_53 = arith.maximumf %max3A_38, %reduce_max3A_52 : f32
    %get3A_54 = arith.constant 4 : index
    %get3A_55 = arith.constant 0 : index
    %get3A_56 = arith.constant 0 : index
    %get3A_57 = vector.load %arg0[%get3A_54, %get3A_55, %get3A_56] : memref<25x1x4000xf32, #tpu.memory_space<vmem>>, vector<1x1x4000xf32>
    %get3A_58 = vector.shape_cast %get3A_57 : vector<1x1x4000xf32> to vector<1x4000xf32>
    %get3A_59 = arith.constant 16000 : index
    %get3A_60 = vector.load %arg1[%get3A_59] : memref<100000xf32, #tpu.memory_space<vmem>>, vector<4000xf32>
    %broadcast_in_dim3A_61 = vector.shape_cast %get3A_60 : vector<4000xf32> to vector<1x4000xf32>
    %add3A_62 = arith.addf %get3A_58, %broadcast_in_dim3A_61 : vector<1x4000xf32>
    %reduce_max3A_63 = vector.shape_cast %add3A_62 : vector<1x4000xf32> to vector<1x1x4000xf32>
    %reduce_max3A_64 = arith.constant dense<0xFF800000> : vector<1xf32>
    %reduce_max3A_65 = vector.multi_reduction <maximumf>, %reduce_max3A_63, %reduce_max3A_64 [1, 2] : vector<1x1x4000xf32> to vector<1xf32>
    %reduce_max3A_66 = vector.shape_cast %reduce_max3A_65 : vector<1xf32> to vector<1x1x1xf32>
    %reduce_max3A_67 = vector.extract %reduce_max3A_66[0, 0, 0] : f32 from vector<1x1x1xf32>
    %max3A_68 = arith.maximumf %max3A_53, %reduce_max3A_67 : f32
    %get3A_69 = arith.constant 5 : index
    %get3A_70 = arith.constant 0 : index
    %get3A_71 = arith.constant 0 : index
    %get3A_72 = vector.load %arg0[%get3A_69, %get3A_70, %get3A_71] : memref<25x1x4000xf32, #tpu.memory_space<vmem>>, vector<1x1x4000xf32>
    %get3A_73 = vector.shape_cast %get3A_72 : vector<1x1x4000xf32> to vector<1x4000xf32>
    %get3A_74 = arith.constant 20000 : index
    %get3A_75 = vector.load %arg1[%get3A_74] : memref<100000xf32, #tpu.memory_space<vmem>>, vector<4000xf32>
    %broadcast_in_dim3A_76 = vector.shape_cast %get3A_75 : vector<4000xf32> to vector<1x4000xf32>
    %add3A_77 = arith.addf %get3A_73, %broadcast_in_dim3A_76 : vector<1x4000xf32>
    %reduce_max3A_78 = vector.shape_cast %add3A_77 : vector<1x4000xf32> to vector<1x1x4000xf32>
    %reduce_max3A_79 = arith.constant dense<0xFF800000> : vector<1xf32>
    %reduce_max3A_80 = vector.multi_reduction <maximumf>, %reduce_max3A_78, %reduce_max3A_79 [1, 2] : vector<1x1x4000xf32> to vector<1xf32>
    %reduce_max3A_81 = vector.shape_cast %reduce_max3A_80 : vector<1xf32> to vector<1x1x1xf32>
    %reduce_max3A_82 = vector.extract %reduce_max3A_81[0, 0, 0] : f32 from vector<1x1x1xf32>
    %max3A_83 = arith.maximumf %max3A_68, %reduce_max3A_82 : f32
    %get3A_84 = arith.constant 6 : index
    %get3A_85 = arith.constant 0 : index
    %get3A_86 = arith.constant 0 : index
    %get3A_87 = vector.load %arg0[%get3A_84, %get3A_85, %get3A_86] : memref<25x1x4000xf32, #tpu.memory_space<vmem>>, vector<1x1x4000xf32>
    %get3A_88 = vector.shape_cast %get3A_87 : vector<1x1x4000xf32> to vector<1x4000xf32>
    %get3A_89 = arith.constant 24000 : index
    %get3A_90 = vector.load %arg1[%get3A_89] : memref<100000xf32, #tpu.memory_space<vmem>>, vector<4000xf32>
    %broadcast_in_dim3A_91 = vector.shape_cast %get3A_90 : vector<4000xf32> to vector<1x4000xf32>
    %add3A_92 = arith.addf %get3A_88, %broadcast_in_dim3A_91 : vector<1x4000xf32>
    %reduce_max3A_93 = vector.shape_cast %add3A_92 : vector<1x4000xf32> to vector<1x1x4000xf32>
    %reduce_max3A_94 = arith.constant dense<0xFF800000> : vector<1xf32>
    %reduce_max3A_95 = vector.multi_reduction <maximumf>, %reduce_max3A_93, %reduce_max3A_94 [1, 2] : vector<1x1x4000xf32> to vector<1xf32>
    %reduce_max3A_96 = vector.shape_cast %reduce_max3A_95 : vector<1xf32> to vector<1x1x1xf32>
    %reduce_max3A_97 = vector.extract %reduce_max3A_96[0, 0, 0] : f32 from vector<1x1x1xf32>
    %max3A_98 = arith.maximumf %max3A_83, %reduce_max3A_97 : f32
    %get3A_99 = arith.constant 7 : index
    %get3A_100 = arith.constant 0 : index
    %get3A_101 = arith.constant 0 : index
    %get3A_102 = vector.load %arg0[%get3A_99, %get3A_100, %get3A_101] : memref<25x1x4000xf32, #tpu.memory_space<vmem>>, vector<1x1x4000xf32>
    %get3A_103 = vector.shape_cast %get3A_102 : vector<1x1x4000xf32> to vector<1x4000xf32>
    %get3A_104 = arith.constant 28000 : index
    %get3A_105 = vector.load %arg1[%get3A_104] : memref<100000xf32, #tpu.memory_space<vmem>>, vector<4000xf32>
    %broadcast_in_dim3A_106 = vector.shape_cast %get3A_105 : vector<4000xf32> to vector<1x4000xf32>
    %add3A_107 = arith.addf %get3A_103, %broadcast_in_dim3A_106 : vector<1x4000xf32>
    %reduce_max3A_108 = vector.shape_cast %add3A_107 : vector<1x4000xf32> to vector<1x1x4000xf32>
    %reduce_max3A_109 = arith.constant dense<0xFF800000> : vector<1xf32>
    %reduce_max3A_110 = vector.multi_reduction <maximumf>, %reduce_max3A_108, %reduce_max3A_109 [1, 2] : vector<1x1x4000xf32> to vector<1xf32>
    %reduce_max3A_111 = vector.shape_cast %reduce_max3A_110 : vector<1xf32> to vector<1x1x1xf32>
    %reduce_max3A_112 = vector.extract %reduce_max3A_111[0, 0, 0] : f32 from vector<1x1x1xf32>
    %max3A_113 = arith.maximumf %max3A_98, %reduce_max3A_112 : f32
    %get3A_114 = arith.constant 8 : index
    %get3A_115 = arith.constant 0 : index
    %get3A_116 = arith.constant 0 : index
    %get3A_117 = vector.load %arg0[%get3A_114, %get3A_115, %get3A_116] : memref<25x1x4000xf32, #tpu.memory_space<vmem>>, vector<1x1x4000xf32>
    %get3A_118 = vector.shape_cast %get3A_117 : vector<1x1x4000xf32> to vector<1x4000xf32>
    %get3A_119 = arith.constant 32000 : index
    %get3A_120 = vector.load %arg1[%get3A_119] : memref<100000xf32, #tpu.memory_space<vmem>>, vector<4000xf32>
    %broadcast_in_dim3A_121 = vector.shape_cast %get3A_120 : vector<4000xf32> to vector<1x4000xf32>
    %add3A_122 = arith.addf %get3A_118, %broadcast_in_dim3A_121 : vector<1x4000xf32>
    %reduce_max3A_123 = vector.shape_cast %add3A_122 : vector<1x4000xf32> to vector<1x1x4000xf32>
    %reduce_max3A_124 = arith.constant dense<0xFF800000> : vector<1xf32>
    %reduce_max3A_125 = vector.multi_reduction <maximumf>, %reduce_max3A_123, %reduce_max3A_124 [1, 2] : vector<1x1x4000xf32> to vector<1xf32>
    %reduce_max3A_126 = vector.shape_cast %reduce_max3A_125 : vector<1xf32> to vector<1x1x1xf32>
    %reduce_max3A_127 = vector.extract %reduce_max3A_126[0, 0, 0] : f32 from vector<1x1x1xf32>
    %max3A_128 = arith.maximumf %max3A_113, %reduce_max3A_127 : f32
    %get3A_129 = arith.constant 9 : index
    %get3A_130 = arith.constant 0 : index
    %get3A_131 = arith.constant 0 : index
    %get3A_132 = vector.load %arg0[%get3A_129, %get3A_130, %get3A_131] : memref<25x1x4000xf32, #tpu.memory_space<vmem>>, vector<1x1x4000xf32>
    %get3A_133 = vector.shape_cast %get3A_132 : vector<1x1x4000xf32> to vector<1x4000xf32>
    %get3A_134 = arith.constant 36000 : index
    %get3A_135 = vector.load %arg1[%get3A_134] : memref<100000xf32, #tpu.memory_space<vmem>>, vector<4000xf32>
    %broadcast_in_dim3A_136 = vector.shape_cast %get3A_135 : vector<4000xf32> to vector<1x4000xf32>
    %add3A_137 = arith.addf %get3A_133, %broadcast_in_dim3A_136 : vector<1x4000xf32>
    %reduce_max3A_138 = vector.shape_cast %add3A_137 : vector<1x4000xf32> to vector<1x1x4000xf32>
    %reduce_max3A_139 = arith.constant dense<0xFF800000> : vector<1xf32>
    %reduce_max3A_140 = vector.multi_reduction <maximumf>, %reduce_max3A_138, %reduce_max3A_139 [1, 2] : vector<1x1x4000xf32> to vector<1xf32>
    %reduce_max3A_141 = vector.shape_cast %reduce_max3A_140 : vector<1xf32> to vector<1x1x1xf32>
    %reduce_max3A_142 = vector.extract %reduce_max3A_141[0, 0, 0] : f32 from vector<1x1x1xf32>
    %max3A_143 = arith.maximumf %max3A_128, %reduce_max3A_142 : f32
    %get3A_144 = arith.constant 10 : index
    %get3A_145 = arith.constant 0 : index
    %get3A_146 = arith.constant 0 : index
    %get3A_147 = vector.load %arg0[%get3A_144, %get3A_145, %get3A_146] : memref<25x1x4000xf32, #tpu.memory_space<vmem>>, vector<1x1x4000xf32>
    %get3A_148 = vector.shape_cast %get3A_147 : vector<1x1x4000xf32> to vector<1x4000xf32>
    %get3A_149 = arith.constant 40000 : index
    %get3A_150 = vector.load %arg1[%get3A_149] : memref<100000xf32, #tpu.memory_space<vmem>>, vector<4000xf32>
    %broadcast_in_dim3A_151 = vector.shape_cast %get3A_150 : vector<4000xf32> to vector<1x4000xf32>
    %add3A_152 = arith.addf %get3A_148, %broadcast_in_dim3A_151 : vector<1x4000xf32>
    %reduce_max3A_153 = vector.shape_cast %add3A_152 : vector<1x4000xf32> to vector<1x1x4000xf32>
    %reduce_max3A_154 = arith.constant dense<0xFF800000> : vector<1xf32>
    %reduce_max3A_155 = vector.multi_reduction <maximumf>, %reduce_max3A_153, %reduce_max3A_154 [1, 2] : vector<1x1x4000xf32> to vector<1xf32>
    %reduce_max3A_156 = vector.shape_cast %reduce_max3A_155 : vector<1xf32> to vector<1x1x1xf32>
    %reduce_max3A_157 = vector.extract %reduce_max3A_156[0, 0, 0] : f32 from vector<1x1x1xf32>
    %max3A_158 = arith.maximumf %max3A_143, %reduce_max3A_157 : f32
    %get3A_159 = arith.constant 11 : index
    %get3A_160 = arith.constant 0 : index
    %get3A_161 = arith.constant 0 : index
    %get3A_162 = vector.load %arg0[%get3A_159, %get3A_160, %get3A_161] : memref<25x1x4000xf32, #tpu.memory_space<vmem>>, vector<1x1x4000xf32>
    %get3A_163 = vector.shape_cast %get3A_162 : vector<1x1x4000xf32> to vector<1x4000xf32>
    %get3A_164 = arith.constant 44000 : index
    %get3A_165 = vector.load %arg1[%get3A_164] : memref<100000xf32, #tpu.memory_space<vmem>>, vector<4000xf32>
    %broadcast_in_dim3A_166 = vector.shape_cast %get3A_165 : vector<4000xf32> to vector<1x4000xf32>
    %add3A_167 = arith.addf %get3A_163, %broadcast_in_dim3A_166 : vector<1x4000xf32>
    %reduce_max3A_168 = vector.shape_cast %add3A_167 : vector<1x4000xf32> to vector<1x1x4000xf32>
    %reduce_max3A_169 = arith.constant dense<0xFF800000> : vector<1xf32>
    %reduce_max3A_170 = vector.multi_reduction <maximumf>, %reduce_max3A_168, %reduce_max3A_169 [1, 2] : vector<1x1x4000xf32> to vector<1xf32>
    %reduce_max3A_171 = vector.shape_cast %reduce_max3A_170 : vector<1xf32> to vector<1x1x1xf32>
    %reduce_max3A_172 = vector.extract %reduce_max3A_171[0, 0, 0] : f32 from vector<1x1x1xf32>
    %max3A_173 = arith.maximumf %max3A_158, %reduce_max3A_172 : f32
    %get3A_174 = arith.constant 12 : index
    %get3A_175 = arith.constant 0 : index
    %get3A_176 = arith.constant 0 : index
    %get3A_177 = vector.load %arg0[%get3A_174, %get3A_175, %get3A_176] : memref<25x1x4000xf32, #tpu.memory_space<vmem>>, vector<1x1x4000xf32>
    %get3A_178 = vector.shape_cast %get3A_177 : vector<1x1x4000xf32> to vector<1x4000xf32>
    %get3A_179 = arith.constant 48000 : index
    %get3A_180 = vector.load %arg1[%get3A_179] : memref<100000xf32, #tpu.memory_space<vmem>>, vector<4000xf32>
    %broadcast_in_dim3A_181 = vector.shape_cast %get3A_180 : vector<4000xf32> to vector<1x4000xf32>
    %add3A_182 = arith.addf %get3A_178, %broadcast_in_dim3A_181 : vector<1x4000xf32>
    %reduce_max3A_183 = vector.shape_cast %add3A_182 : vector<1x4000xf32> to vector<1x1x4000xf32>
    %reduce_max3A_184 = arith.constant dense<0xFF800000> : vector<1xf32>
    %reduce_max3A_185 = vector.multi_reduction <maximumf>, %reduce_max3A_183, %reduce_max3A_184 [1, 2] : vector<1x1x4000xf32> to vector<1xf32>
    %reduce_max3A_186 = vector.shape_cast %reduce_max3A_185 : vector<1xf32> to vector<1x1x1xf32>
    %reduce_max3A_187 = vector.extract %reduce_max3A_186[0, 0, 0] : f32 from vector<1x1x1xf32>
    %max3A_188 = arith.maximumf %max3A_173, %reduce_max3A_187 : f32
    %get3A_189 = arith.constant 13 : index
    %get3A_190 = arith.constant 0 : index
    %get3A_191 = arith.constant 0 : index
    %get3A_192 = vector.load %arg0[%get3A_189, %get3A_190, %get3A_191] : memref<25x1x4000xf32, #tpu.memory_space<vmem>>, vector<1x1x4000xf32>
    %get3A_193 = vector.shape_cast %get3A_192 : vector<1x1x4000xf32> to vector<1x4000xf32>
    %get3A_194 = arith.constant 52000 : index
    %get3A_195 = vector.load %arg1[%get3A_194] : memref<100000xf32, #tpu.memory_space<vmem>>, vector<4000xf32>
    %broadcast_in_dim3A_196 = vector.shape_cast %get3A_195 : vector<4000xf32> to vector<1x4000xf32>
    %add3A_197 = arith.addf %get3A_193, %broadcast_in_dim3A_196 : vector<1x4000xf32>
    %reduce_max3A_198 = vector.shape_cast %add3A_197 : vector<1x4000xf32> to vector<1x1x4000xf32>
    %reduce_max3A_199 = arith.constant dense<0xFF800000> : vector<1xf32>
    %reduce_max3A_200 = vector.multi_reduction <maximumf>, %reduce_max3A_198, %reduce_max3A_199 [1, 2] : vector<1x1x4000xf32> to vector<1xf32>
    %reduce_max3A_201 = vector.shape_cast %reduce_max3A_200 : vector<1xf32> to vector<1x1x1xf32>
    %reduce_max3A_202 = vector.extract %reduce_max3A_201[0, 0, 0] : f32 from vector<1x1x1xf32>
    %max3A_203 = arith.maximumf %max3A_188, %reduce_max3A_202 : f32
    %get3A_204 = arith.constant 14 : index
    %get3A_205 = arith.constant 0 : index
    %get3A_206 = arith.constant 0 : index
    %get3A_207 = vector.load %arg0[%get3A_204, %get3A_205, %get3A_206] : memref<25x1x4000xf32, #tpu.memory_space<vmem>>, vector<1x1x4000xf32>
    %get3A_208 = vector.shape_cast %get3A_207 : vector<1x1x4000xf32> to vector<1x4000xf32>
    %get3A_209 = arith.constant 56000 : index
    %get3A_210 = vector.load %arg1[%get3A_209] : memref<100000xf32, #tpu.memory_space<vmem>>, vector<4000xf32>
    %broadcast_in_dim3A_211 = vector.shape_cast %get3A_210 : vector<4000xf32> to vector<1x4000xf32>
    %add3A_212 = arith.addf %get3A_208, %broadcast_in_dim3A_211 : vector<1x4000xf32>
    %reduce_max3A_213 = vector.shape_cast %add3A_212 : vector<1x4000xf32> to vector<1x1x4000xf32>
    %reduce_max3A_214 = arith.constant dense<0xFF800000> : vector<1xf32>
    %reduce_max3A_215 = vector.multi_reduction <maximumf>, %reduce_max3A_213, %reduce_max3A_214 [1, 2] : vector<1x1x4000xf32> to vector<1xf32>
    %reduce_max3A_216 = vector.shape_cast %reduce_max3A_215 : vector<1xf32> to vector<1x1x1xf32>
    %reduce_max3A_217 = vector.extract %reduce_max3A_216[0, 0, 0] : f32 from vector<1x1x1xf32>
    %max3A_218 = arith.maximumf %max3A_203, %reduce_max3A_217 : f32
    %get3A_219 = arith.constant 15 : index
    %get3A_220 = arith.constant 0 : index
    %get3A_221 = arith.constant 0 : index
    %get3A_222 = vector.load %arg0[%get3A_219, %get3A_220, %get3A_221] : memref<25x1x4000xf32, #tpu.memory_space<vmem>>, vector<1x1x4000xf32>
    %get3A_223 = vector.shape_cast %get3A_222 : vector<1x1x4000xf32> to vector<1x4000xf32>
    %get3A_224 = arith.constant 60000 : index
    %get3A_225 = vector.load %arg1[%get3A_224] : memref<100000xf32, #tpu.memory_space<vmem>>, vector<4000xf32>
    %broadcast_in_dim3A_226 = vector.shape_cast %get3A_225 : vector<4000xf32> to vector<1x4000xf32>
    %add3A_227 = arith.addf %get3A_223, %broadcast_in_dim3A_226 : vector<1x4000xf32>
    %reduce_max3A_228 = vector.shape_cast %add3A_227 : vector<1x4000xf32> to vector<1x1x4000xf32>
    %reduce_max3A_229 = arith.constant dense<0xFF800000> : vector<1xf32>
    %reduce_max3A_230 = vector.multi_reduction <maximumf>, %reduce_max3A_228, %reduce_max3A_229 [1, 2] : vector<1x1x4000xf32> to vector<1xf32>
    %reduce_max3A_231 = vector.shape_cast %reduce_max3A_230 : vector<1xf32> to vector<1x1x1xf32>
    %reduce_max3A_232 = vector.extract %reduce_max3A_231[0, 0, 0] : f32 from vector<1x1x1xf32>
    %max3A_233 = arith.maximumf %max3A_218, %reduce_max3A_232 : f32
    %get3A_234 = arith.constant 16 : index
    %get3A_235 = arith.constant 0 : index
    %get3A_236 = arith.constant 0 : index
    %get3A_237 = vector.load %arg0[%get3A_234, %get3A_235, %get3A_236] : memref<25x1x4000xf32, #tpu.memory_space<vmem>>, vector<1x1x4000xf32>
    %get3A_238 = vector.shape_cast %get3A_237 : vector<1x1x4000xf32> to vector<1x4000xf32>
    %get3A_239 = arith.constant 64000 : index
    %get3A_240 = vector.load %arg1[%get3A_239] : memref<100000xf32, #tpu.memory_space<vmem>>, vector<4000xf32>
    %broadcast_in_dim3A_241 = vector.shape_cast %get3A_240 : vector<4000xf32> to vector<1x4000xf32>
    %add3A_242 = arith.addf %get3A_238, %broadcast_in_dim3A_241 : vector<1x4000xf32>
    %reduce_max3A_243 = vector.shape_cast %add3A_242 : vector<1x4000xf32> to vector<1x1x4000xf32>
    %reduce_max3A_244 = arith.constant dense<0xFF800000> : vector<1xf32>
    %reduce_max3A_245 = vector.multi_reduction <maximumf>, %reduce_max3A_243, %reduce_max3A_244 [1, 2] : vector<1x1x4000xf32> to vector<1xf32>
    %reduce_max3A_246 = vector.shape_cast %reduce_max3A_245 : vector<1xf32> to vector<1x1x1xf32>
    %reduce_max3A_247 = vector.extract %reduce_max3A_246[0, 0, 0] : f32 from vector<1x1x1xf32>
    %max3A_248 = arith.maximumf %max3A_233, %reduce_max3A_247 : f32
    %get3A_249 = arith.constant 17 : index
    %get3A_250 = arith.constant 0 : index
    %get3A_251 = arith.constant 0 : index
    %get3A_252 = vector.load %arg0[%get3A_249, %get3A_250, %get3A_251] : memref<25x1x4000xf32, #tpu.memory_space<vmem>>, vector<1x1x4000xf32>
    %get3A_253 = vector.shape_cast %get3A_252 : vector<1x1x4000xf32> to vector<1x4000xf32>
    %get3A_254 = arith.constant 68000 : index
    %get3A_255 = vector.load %arg1[%get3A_254] : memref<100000xf32, #tpu.memory_space<vmem>>, vector<4000xf32>
    %broadcast_in_dim3A_256 = vector.shape_cast %get3A_255 : vector<4000xf32> to vector<1x4000xf32>
    %add3A_257 = arith.addf %get3A_253, %broadcast_in_dim3A_256 : vector<1x4000xf32>
    %reduce_max3A_258 = vector.shape_cast %add3A_257 : vector<1x4000xf32> to vector<1x1x4000xf32>
    %reduce_max3A_259 = arith.constant dense<0xFF800000> : vector<1xf32>
    %reduce_max3A_260 = vector.multi_reduction <maximumf>, %reduce_max3A_258, %reduce_max3A_259 [1, 2] : vector<1x1x4000xf32> to vector<1xf32>
    %reduce_max3A_261 = vector.shape_cast %reduce_max3A_260 : vector<1xf32> to vector<1x1x1xf32>
    %reduce_max3A_262 = vector.extract %reduce_max3A_261[0, 0, 0] : f32 from vector<1x1x1xf32>
    %max3A_263 = arith.maximumf %max3A_248, %reduce_max3A_262 : f32
    %get3A_264 = arith.constant 18 : index
    %get3A_265 = arith.constant 0 : index
    %get3A_266 = arith.constant 0 : index
    %get3A_267 = vector.load %arg0[%get3A_264, %get3A_265, %get3A_266] : memref<25x1x4000xf32, #tpu.memory_space<vmem>>, vector<1x1x4000xf32>
    %get3A_268 = vector.shape_cast %get3A_267 : vector<1x1x4000xf32> to vector<1x4000xf32>
    %get3A_269 = arith.constant 72000 : index
    %get3A_270 = vector.load %arg1[%get3A_269] : memref<100000xf32, #tpu.memory_space<vmem>>, vector<4000xf32>
    %broadcast_in_dim3A_271 = vector.shape_cast %get3A_270 : vector<4000xf32> to vector<1x4000xf32>
    %add3A_272 = arith.addf %get3A_268, %broadcast_in_dim3A_271 : vector<1x4000xf32>
    %reduce_max3A_273 = vector.shape_cast %add3A_272 : vector<1x4000xf32> to vector<1x1x4000xf32>
    %reduce_max3A_274 = arith.constant dense<0xFF800000> : vector<1xf32>
    %reduce_max3A_275 = vector.multi_reduction <maximumf>, %reduce_max3A_273, %reduce_max3A_274 [1, 2] : vector<1x1x4000xf32> to vector<1xf32>
    %reduce_max3A_276 = vector.shape_cast %reduce_max3A_275 : vector<1xf32> to vector<1x1x1xf32>
    %reduce_max3A_277 = vector.extract %reduce_max3A_276[0, 0, 0] : f32 from vector<1x1x1xf32>
    %max3A_278 = arith.maximumf %max3A_263, %reduce_max3A_277 : f32
    %get3A_279 = arith.constant 19 : index
    %get3A_280 = arith.constant 0 : index
    %get3A_281 = arith.constant 0 : index
    %get3A_282 = vector.load %arg0[%get3A_279, %get3A_280, %get3A_281] : memref<25x1x4000xf32, #tpu.memory_space<vmem>>, vector<1x1x4000xf32>
    %get3A_283 = vector.shape_cast %get3A_282 : vector<1x1x4000xf32> to vector<1x4000xf32>
    %get3A_284 = arith.constant 76000 : index
    %get3A_285 = vector.load %arg1[%get3A_284] : memref<100000xf32, #tpu.memory_space<vmem>>, vector<4000xf32>
    %broadcast_in_dim3A_286 = vector.shape_cast %get3A_285 : vector<4000xf32> to vector<1x4000xf32>
    %add3A_287 = arith.addf %get3A_283, %broadcast_in_dim3A_286 : vector<1x4000xf32>
    %reduce_max3A_288 = vector.shape_cast %add3A_287 : vector<1x4000xf32> to vector<1x1x4000xf32>
    %reduce_max3A_289 = arith.constant dense<0xFF800000> : vector<1xf32>
    %reduce_max3A_290 = vector.multi_reduction <maximumf>, %reduce_max3A_288, %reduce_max3A_289 [1, 2] : vector<1x1x4000xf32> to vector<1xf32>
    %reduce_max3A_291 = vector.shape_cast %reduce_max3A_290 : vector<1xf32> to vector<1x1x1xf32>
    %reduce_max3A_292 = vector.extract %reduce_max3A_291[0, 0, 0] : f32 from vector<1x1x1xf32>
    %max3A_293 = arith.maximumf %max3A_278, %reduce_max3A_292 : f32
    %get3A_294 = arith.constant 20 : index
    %get3A_295 = arith.constant 0 : index
    %get3A_296 = arith.constant 0 : index
    %get3A_297 = vector.load %arg0[%get3A_294, %get3A_295, %get3A_296] : memref<25x1x4000xf32, #tpu.memory_space<vmem>>, vector<1x1x4000xf32>
    %get3A_298 = vector.shape_cast %get3A_297 : vector<1x1x4000xf32> to vector<1x4000xf32>
    %get3A_299 = arith.constant 80000 : index
    %get3A_300 = vector.load %arg1[%get3A_299] : memref<100000xf32, #tpu.memory_space<vmem>>, vector<4000xf32>
    %broadcast_in_dim3A_301 = vector.shape_cast %get3A_300 : vector<4000xf32> to vector<1x4000xf32>
    %add3A_302 = arith.addf %get3A_298, %broadcast_in_dim3A_301 : vector<1x4000xf32>
    %reduce_max3A_303 = vector.shape_cast %add3A_302 : vector<1x4000xf32> to vector<1x1x4000xf32>
    %reduce_max3A_304 = arith.constant dense<0xFF800000> : vector<1xf32>
    %reduce_max3A_305 = vector.multi_reduction <maximumf>, %reduce_max3A_303, %reduce_max3A_304 [1, 2] : vector<1x1x4000xf32> to vector<1xf32>
    %reduce_max3A_306 = vector.shape_cast %reduce_max3A_305 : vector<1xf32> to vector<1x1x1xf32>
    %reduce_max3A_307 = vector.extract %reduce_max3A_306[0, 0, 0] : f32 from vector<1x1x1xf32>
    %max3A_308 = arith.maximumf %max3A_293, %reduce_max3A_307 : f32
    %get3A_309 = arith.constant 21 : index
    %get3A_310 = arith.constant 0 : index
    %get3A_311 = arith.constant 0 : index
    %get3A_312 = vector.load %arg0[%get3A_309, %get3A_310, %get3A_311] : memref<25x1x4000xf32, #tpu.memory_space<vmem>>, vector<1x1x4000xf32>
    %get3A_313 = vector.shape_cast %get3A_312 : vector<1x1x4000xf32> to vector<1x4000xf32>
    %get3A_314 = arith.constant 84000 : index
    %get3A_315 = vector.load %arg1[%get3A_314] : memref<100000xf32, #tpu.memory_space<vmem>>, vector<4000xf32>
    %broadcast_in_dim3A_316 = vector.shape_cast %get3A_315 : vector<4000xf32> to vector<1x4000xf32>
    %add3A_317 = arith.addf %get3A_313, %broadcast_in_dim3A_316 : vector<1x4000xf32>
    %reduce_max3A_318 = vector.shape_cast %add3A_317 : vector<1x4000xf32> to vector<1x1x4000xf32>
    %reduce_max3A_319 = arith.constant dense<0xFF800000> : vector<1xf32>
    %reduce_max3A_320 = vector.multi_reduction <maximumf>, %reduce_max3A_318, %reduce_max3A_319 [1, 2] : vector<1x1x4000xf32> to vector<1xf32>
    %reduce_max3A_321 = vector.shape_cast %reduce_max3A_320 : vector<1xf32> to vector<1x1x1xf32>
    %reduce_max3A_322 = vector.extract %reduce_max3A_321[0, 0, 0] : f32 from vector<1x1x1xf32>
    %max3A_323 = arith.maximumf %max3A_308, %reduce_max3A_322 : f32
    %get3A_324 = arith.constant 22 : index
    %get3A_325 = arith.constant 0 : index
    %get3A_326 = arith.constant 0 : index
    %get3A_327 = vector.load %arg0[%get3A_324, %get3A_325, %get3A_326] : memref<25x1x4000xf32, #tpu.memory_space<vmem>>, vector<1x1x4000xf32>
    %get3A_328 = vector.shape_cast %get3A_327 : vector<1x1x4000xf32> to vector<1x4000xf32>
    %get3A_329 = arith.constant 88000 : index
    %get3A_330 = vector.load %arg1[%get3A_329] : memref<100000xf32, #tpu.memory_space<vmem>>, vector<4000xf32>
    %broadcast_in_dim3A_331 = vector.shape_cast %get3A_330 : vector<4000xf32> to vector<1x4000xf32>
    %add3A_332 = arith.addf %get3A_328, %broadcast_in_dim3A_331 : vector<1x4000xf32>
    %reduce_max3A_333 = vector.shape_cast %add3A_332 : vector<1x4000xf32> to vector<1x1x4000xf32>
    %reduce_max3A_334 = arith.constant dense<0xFF800000> : vector<1xf32>
    %reduce_max3A_335 = vector.multi_reduction <maximumf>, %reduce_max3A_333, %reduce_max3A_334 [1, 2] : vector<1x1x4000xf32> to vector<1xf32>
    %reduce_max3A_336 = vector.shape_cast %reduce_max3A_335 : vector<1xf32> to vector<1x1x1xf32>
    %reduce_max3A_337 = vector.extract %reduce_max3A_336[0, 0, 0] : f32 from vector<1x1x1xf32>
    %max3A_338 = arith.maximumf %max3A_323, %reduce_max3A_337 : f32
    %get3A_339 = arith.constant 23 : index
    %get3A_340 = arith.constant 0 : index
    %get3A_341 = arith.constant 0 : index
    %get3A_342 = vector.load %arg0[%get3A_339, %get3A_340, %get3A_341] : memref<25x1x4000xf32, #tpu.memory_space<vmem>>, vector<1x1x4000xf32>
    %get3A_343 = vector.shape_cast %get3A_342 : vector<1x1x4000xf32> to vector<1x4000xf32>
    %get3A_344 = arith.constant 92000 : index
    %get3A_345 = vector.load %arg1[%get3A_344] : memref<100000xf32, #tpu.memory_space<vmem>>, vector<4000xf32>
    %broadcast_in_dim3A_346 = vector.shape_cast %get3A_345 : vector<4000xf32> to vector<1x4000xf32>
    %add3A_347 = arith.addf %get3A_343, %broadcast_in_dim3A_346 : vector<1x4000xf32>
    %reduce_max3A_348 = vector.shape_cast %add3A_347 : vector<1x4000xf32> to vector<1x1x4000xf32>
    %reduce_max3A_349 = arith.constant dense<0xFF800000> : vector<1xf32>
    %reduce_max3A_350 = vector.multi_reduction <maximumf>, %reduce_max3A_348, %reduce_max3A_349 [1, 2] : vector<1x1x4000xf32> to vector<1xf32>
    %reduce_max3A_351 = vector.shape_cast %reduce_max3A_350 : vector<1xf32> to vector<1x1x1xf32>
    %reduce_max3A_352 = vector.extract %reduce_max3A_351[0, 0, 0] : f32 from vector<1x1x1xf32>
    %max3A_353 = arith.maximumf %max3A_338, %reduce_max3A_352 : f32
    %get3A_354 = arith.constant 24 : index
    %get3A_355 = arith.constant 0 : index
    %get3A_356 = arith.constant 0 : index
    %get3A_357 = vector.load %arg0[%get3A_354, %get3A_355, %get3A_356] : memref<25x1x4000xf32, #tpu.memory_space<vmem>>, vector<1x1x4000xf32>
    %get3A_358 = vector.shape_cast %get3A_357 : vector<1x1x4000xf32> to vector<1x4000xf32>
    %get3A_359 = arith.constant 96000 : index
    %get3A_360 = vector.load %arg1[%get3A_359] : memref<100000xf32, #tpu.memory_space<vmem>>, vector<4000xf32>
    %broadcast_in_dim3A_361 = vector.shape_cast %get3A_360 : vector<4000xf32> to vector<1x4000xf32>
    %add3A_362 = arith.addf %get3A_358, %broadcast_in_dim3A_361 : vector<1x4000xf32>
    %reduce_max3A_363 = vector.shape_cast %add3A_362 : vector<1x4000xf32> to vector<1x1x4000xf32>
    %reduce_max3A_364 = arith.constant dense<0xFF800000> : vector<1xf32>
    %reduce_max3A_365 = vector.multi_reduction <maximumf>, %reduce_max3A_363, %reduce_max3A_364 [1, 2] : vector<1x1x4000xf32> to vector<1xf32>
    %reduce_max3A_366 = vector.shape_cast %reduce_max3A_365 : vector<1xf32> to vector<1x1x1xf32>
    %reduce_max3A_367 = vector.extract %reduce_max3A_366[0, 0, 0] : f32 from vector<1x1x1xf32>
    %max3A_368 = arith.maximumf %max3A_353, %reduce_max3A_367 : f32
    %get3A_369 = arith.constant 0 : index
    %get3A_370 = arith.constant 0 : index
    %get3A_371 = arith.constant 0 : index
    %get3A_372 = vector.load %arg0[%get3A_369, %get3A_370, %get3A_371] : memref<25x1x4000xf32, #tpu.memory_space<vmem>>, vector<1x1x4000xf32>
    %get3A_373 = vector.shape_cast %get3A_372 : vector<1x1x4000xf32> to vector<1x4000xf32>
    %get3A_374 = arith.constant 0 : index
    %get3A_375 = vector.load %arg1[%get3A_374] : memref<100000xf32, #tpu.memory_space<vmem>>, vector<4000xf32>
    %broadcast_in_dim3A_376 = vector.shape_cast %get3A_375 : vector<4000xf32> to vector<1x4000xf32>
    %add3A_377 = arith.addf %get3A_373, %broadcast_in_dim3A_376 : vector<1x4000xf32>
    %sub3A = vector.broadcast %max3A_368 : f32 to vector<1x4000xf32>
    %sub3A_378 = arith.subf %add3A_377, %sub3A : vector<1x4000xf32>
    %exp3A = math.exp %sub3A_378 : vector<1x4000xf32>
    %reduce_sum3A = vector.shape_cast %exp3A : vector<1x4000xf32> to vector<1x1x4000xf32>
    %reduce_sum3A_379 = arith.constant dense<0.000000e+00> : vector<1xf32>
    %reduce_sum3A_380 = vector.multi_reduction <add>, %reduce_sum3A, %reduce_sum3A_379 [1, 2] : vector<1x1x4000xf32> to vector<1xf32>
    %reduce_sum3A_381 = vector.shape_cast %reduce_sum3A_380 : vector<1xf32> to vector<1x1x1xf32>
    %reduce_sum3A_382 = vector.extract %reduce_sum3A_381[0, 0, 0] : f32 from vector<1x1x1xf32>
    %add3A_383 = arith.constant 0.000000e+00 : f32
    %add3A_384 = arith.addf %add3A_383, %reduce_sum3A_382 : f32
    %get3A_385 = arith.constant 1 : index
    %get3A_386 = arith.constant 0 : index
    %get3A_387 = arith.constant 0 : index
    %get3A_388 = vector.load %arg0[%get3A_385, %get3A_386, %get3A_387] : memref<25x1x4000xf32, #tpu.memory_space<vmem>>, vector<1x1x4000xf32>
    %get3A_389 = vector.shape_cast %get3A_388 : vector<1x1x4000xf32> to vector<1x4000xf32>
    %get3A_390 = arith.constant 4000 : index
    %get3A_391 = vector.load %arg1[%get3A_390] : memref<100000xf32, #tpu.memory_space<vmem>>, vector<4000xf32>
    %broadcast_in_dim3A_392 = vector.shape_cast %get3A_391 : vector<4000xf32> to vector<1x4000xf32>
    %add3A_393 = arith.addf %get3A_389, %broadcast_in_dim3A_392 : vector<1x4000xf32>
    %sub3A_394 = vector.broadcast %max3A_368 : f32 to vector<1x4000xf32>
    %sub3A_395 = arith.subf %add3A_393, %sub3A_394 : vector<1x4000xf32>
    %exp3A_396 = math.exp %sub3A_395 : vector<1x4000xf32>
    %reduce_sum3A_397 = vector.shape_cast %exp3A_396 : vector<1x4000xf32> to vector<1x1x4000xf32>
    %reduce_sum3A_398 = arith.constant dense<0.000000e+00> : vector<1xf32>
    %reduce_sum3A_399 = vector.multi_reduction <add>, %reduce_sum3A_397, %reduce_sum3A_398 [1, 2] : vector<1x1x4000xf32> to vector<1xf32>
    %reduce_sum3A_400 = vector.shape_cast %reduce_sum3A_399 : vector<1xf32> to vector<1x1x1xf32>
    %reduce_sum3A_401 = vector.extract %reduce_sum3A_400[0, 0, 0] : f32 from vector<1x1x1xf32>
    %add3A_402 = arith.addf %add3A_384, %reduce_sum3A_401 : f32
    %get3A_403 = arith.constant 2 : index
    %get3A_404 = arith.constant 0 : index
    %get3A_405 = arith.constant 0 : index
    %get3A_406 = vector.load %arg0[%get3A_403, %get3A_404, %get3A_405] : memref<25x1x4000xf32, #tpu.memory_space<vmem>>, vector<1x1x4000xf32>
    %get3A_407 = vector.shape_cast %get3A_406 : vector<1x1x4000xf32> to vector<1x4000xf32>
    %get3A_408 = arith.constant 8000 : index
    %get3A_409 = vector.load %arg1[%get3A_408] : memref<100000xf32, #tpu.memory_space<vmem>>, vector<4000xf32>
    %broadcast_in_dim3A_410 = vector.shape_cast %get3A_409 : vector<4000xf32> to vector<1x4000xf32>
    %add3A_411 = arith.addf %get3A_407, %broadcast_in_dim3A_410 : vector<1x4000xf32>
    %sub3A_412 = vector.broadcast %max3A_368 : f32 to vector<1x4000xf32>
    %sub3A_413 = arith.subf %add3A_411, %sub3A_412 : vector<1x4000xf32>
    %exp3A_414 = math.exp %sub3A_413 : vector<1x4000xf32>
    %reduce_sum3A_415 = vector.shape_cast %exp3A_414 : vector<1x4000xf32> to vector<1x1x4000xf32>
    %reduce_sum3A_416 = arith.constant dense<0.000000e+00> : vector<1xf32>
    %reduce_sum3A_417 = vector.multi_reduction <add>, %reduce_sum3A_415, %reduce_sum3A_416 [1, 2] : vector<1x1x4000xf32> to vector<1xf32>
    %reduce_sum3A_418 = vector.shape_cast %reduce_sum3A_417 : vector<1xf32> to vector<1x1x1xf32>
    %reduce_sum3A_419 = vector.extract %reduce_sum3A_418[0, 0, 0] : f32 from vector<1x1x1xf32>
    %add3A_420 = arith.addf %add3A_402, %reduce_sum3A_419 : f32
    %get3A_421 = arith.constant 3 : index
    %get3A_422 = arith.constant 0 : index
    %get3A_423 = arith.constant 0 : index
    %get3A_424 = vector.load %arg0[%get3A_421, %get3A_422, %get3A_423] : memref<25x1x4000xf32, #tpu.memory_space<vmem>>, vector<1x1x4000xf32>
    %get3A_425 = vector.shape_cast %get3A_424 : vector<1x1x4000xf32> to vector<1x4000xf32>
    %get3A_426 = arith.constant 12000 : index
    %get3A_427 = vector.load %arg1[%get3A_426] : memref<100000xf32, #tpu.memory_space<vmem>>, vector<4000xf32>
    %broadcast_in_dim3A_428 = vector.shape_cast %get3A_427 : vector<4000xf32> to vector<1x4000xf32>
    %add3A_429 = arith.addf %get3A_425, %broadcast_in_dim3A_428 : vector<1x4000xf32>
    %sub3A_430 = vector.broadcast %max3A_368 : f32 to vector<1x4000xf32>
    %sub3A_431 = arith.subf %add3A_429, %sub3A_430 : vector<1x4000xf32>
    %exp3A_432 = math.exp %sub3A_431 : vector<1x4000xf32>
    %reduce_sum3A_433 = vector.shape_cast %exp3A_432 : vector<1x4000xf32> to vector<1x1x4000xf32>
    %reduce_sum3A_434 = arith.constant dense<0.000000e+00> : vector<1xf32>
    %reduce_sum3A_435 = vector.multi_reduction <add>, %reduce_sum3A_433, %reduce_sum3A_434 [1, 2] : vector<1x1x4000xf32> to vector<1xf32>
    %reduce_sum3A_436 = vector.shape_cast %reduce_sum3A_435 : vector<1xf32> to vector<1x1x1xf32>
    %reduce_sum3A_437 = vector.extract %reduce_sum3A_436[0, 0, 0] : f32 from vector<1x1x1xf32>
    %add3A_438 = arith.addf %add3A_420, %reduce_sum3A_437 : f32
    %get3A_439 = arith.constant 4 : index
    %get3A_440 = arith.constant 0 : index
    %get3A_441 = arith.constant 0 : index
    %get3A_442 = vector.load %arg0[%get3A_439, %get3A_440, %get3A_441] : memref<25x1x4000xf32, #tpu.memory_space<vmem>>, vector<1x1x4000xf32>
    %get3A_443 = vector.shape_cast %get3A_442 : vector<1x1x4000xf32> to vector<1x4000xf32>
    %get3A_444 = arith.constant 16000 : index
    %get3A_445 = vector.load %arg1[%get3A_444] : memref<100000xf32, #tpu.memory_space<vmem>>, vector<4000xf32>
    %broadcast_in_dim3A_446 = vector.shape_cast %get3A_445 : vector<4000xf32> to vector<1x4000xf32>
    %add3A_447 = arith.addf %get3A_443, %broadcast_in_dim3A_446 : vector<1x4000xf32>
    %sub3A_448 = vector.broadcast %max3A_368 : f32 to vector<1x4000xf32>
    %sub3A_449 = arith.subf %add3A_447, %sub3A_448 : vector<1x4000xf32>
    %exp3A_450 = math.exp %sub3A_449 : vector<1x4000xf32>
    %reduce_sum3A_451 = vector.shape_cast %exp3A_450 : vector<1x4000xf32> to vector<1x1x4000xf32>
    %reduce_sum3A_452 = arith.constant dense<0.000000e+00> : vector<1xf32>
    %reduce_sum3A_453 = vector.multi_reduction <add>, %reduce_sum3A_451, %reduce_sum3A_452 [1, 2] : vector<1x1x4000xf32> to vector<1xf32>
    %reduce_sum3A_454 = vector.shape_cast %reduce_sum3A_453 : vector<1xf32> to vector<1x1x1xf32>
    %reduce_sum3A_455 = vector.extract %reduce_sum3A_454[0, 0, 0] : f32 from vector<1x1x1xf32>
    %add3A_456 = arith.addf %add3A_438, %reduce_sum3A_455 : f32
    %get3A_457 = arith.constant 5 : index
    %get3A_458 = arith.constant 0 : index
    %get3A_459 = arith.constant 0 : index
    %get3A_460 = vector.load %arg0[%get3A_457, %get3A_458, %get3A_459] : memref<25x1x4000xf32, #tpu.memory_space<vmem>>, vector<1x1x4000xf32>
    %get3A_461 = vector.shape_cast %get3A_460 : vector<1x1x4000xf32> to vector<1x4000xf32>
    %get3A_462 = arith.constant 20000 : index
    %get3A_463 = vector.load %arg1[%get3A_462] : memref<100000xf32, #tpu.memory_space<vmem>>, vector<4000xf32>
    %broadcast_in_dim3A_464 = vector.shape_cast %get3A_463 : vector<4000xf32> to vector<1x4000xf32>
    %add3A_465 = arith.addf %get3A_461, %broadcast_in_dim3A_464 : vector<1x4000xf32>
    %sub3A_466 = vector.broadcast %max3A_368 : f32 to vector<1x4000xf32>
    %sub3A_467 = arith.subf %add3A_465, %sub3A_466 : vector<1x4000xf32>
    %exp3A_468 = math.exp %sub3A_467 : vector<1x4000xf32>
    %reduce_sum3A_469 = vector.shape_cast %exp3A_468 : vector<1x4000xf32> to vector<1x1x4000xf32>
    %reduce_sum3A_470 = arith.constant dense<0.000000e+00> : vector<1xf32>
    %reduce_sum3A_471 = vector.multi_reduction <add>, %reduce_sum3A_469, %reduce_sum3A_470 [1, 2] : vector<1x1x4000xf32> to vector<1xf32>
    %reduce_sum3A_472 = vector.shape_cast %reduce_sum3A_471 : vector<1xf32> to vector<1x1x1xf32>
    %reduce_sum3A_473 = vector.extract %reduce_sum3A_472[0, 0, 0] : f32 from vector<1x1x1xf32>
    %add3A_474 = arith.addf %add3A_456, %reduce_sum3A_473 : f32
    %get3A_475 = arith.constant 6 : index
    %get3A_476 = arith.constant 0 : index
    %get3A_477 = arith.constant 0 : index
    %get3A_478 = vector.load %arg0[%get3A_475, %get3A_476, %get3A_477] : memref<25x1x4000xf32, #tpu.memory_space<vmem>>, vector<1x1x4000xf32>
    %get3A_479 = vector.shape_cast %get3A_478 : vector<1x1x4000xf32> to vector<1x4000xf32>
    %get3A_480 = arith.constant 24000 : index
    %get3A_481 = vector.load %arg1[%get3A_480] : memref<100000xf32, #tpu.memory_space<vmem>>, vector<4000xf32>
    %broadcast_in_dim3A_482 = vector.shape_cast %get3A_481 : vector<4000xf32> to vector<1x4000xf32>
    %add3A_483 = arith.addf %get3A_479, %broadcast_in_dim3A_482 : vector<1x4000xf32>
    %sub3A_484 = vector.broadcast %max3A_368 : f32 to vector<1x4000xf32>
    %sub3A_485 = arith.subf %add3A_483, %sub3A_484 : vector<1x4000xf32>
    %exp3A_486 = math.exp %sub3A_485 : vector<1x4000xf32>
    %reduce_sum3A_487 = vector.shape_cast %exp3A_486 : vector<1x4000xf32> to vector<1x1x4000xf32>
    %reduce_sum3A_488 = arith.constant dense<0.000000e+00> : vector<1xf32>
    %reduce_sum3A_489 = vector.multi_reduction <add>, %reduce_sum3A_487, %reduce_sum3A_488 [1, 2] : vector<1x1x4000xf32> to vector<1xf32>
    %reduce_sum3A_490 = vector.shape_cast %reduce_sum3A_489 : vector<1xf32> to vector<1x1x1xf32>
    %reduce_sum3A_491 = vector.extract %reduce_sum3A_490[0, 0, 0] : f32 from vector<1x1x1xf32>
    %add3A_492 = arith.addf %add3A_474, %reduce_sum3A_491 : f32
    %get3A_493 = arith.constant 7 : index
    %get3A_494 = arith.constant 0 : index
    %get3A_495 = arith.constant 0 : index
    %get3A_496 = vector.load %arg0[%get3A_493, %get3A_494, %get3A_495] : memref<25x1x4000xf32, #tpu.memory_space<vmem>>, vector<1x1x4000xf32>
    %get3A_497 = vector.shape_cast %get3A_496 : vector<1x1x4000xf32> to vector<1x4000xf32>
    %get3A_498 = arith.constant 28000 : index
    %get3A_499 = vector.load %arg1[%get3A_498] : memref<100000xf32, #tpu.memory_space<vmem>>, vector<4000xf32>
    %broadcast_in_dim3A_500 = vector.shape_cast %get3A_499 : vector<4000xf32> to vector<1x4000xf32>
    %add3A_501 = arith.addf %get3A_497, %broadcast_in_dim3A_500 : vector<1x4000xf32>
    %sub3A_502 = vector.broadcast %max3A_368 : f32 to vector<1x4000xf32>
    %sub3A_503 = arith.subf %add3A_501, %sub3A_502 : vector<1x4000xf32>
    %exp3A_504 = math.exp %sub3A_503 : vector<1x4000xf32>
    %reduce_sum3A_505 = vector.shape_cast %exp3A_504 : vector<1x4000xf32> to vector<1x1x4000xf32>
    %reduce_sum3A_506 = arith.constant dense<0.000000e+00> : vector<1xf32>
    %reduce_sum3A_507 = vector.multi_reduction <add>, %reduce_sum3A_505, %reduce_sum3A_506 [1, 2] : vector<1x1x4000xf32> to vector<1xf32>
    %reduce_sum3A_508 = vector.shape_cast %reduce_sum3A_507 : vector<1xf32> to vector<1x1x1xf32>
    %reduce_sum3A_509 = vector.extract %reduce_sum3A_508[0, 0, 0] : f32 from vector<1x1x1xf32>
    %add3A_510 = arith.addf %add3A_492, %reduce_sum3A_509 : f32
    %get3A_511 = arith.constant 8 : index
    %get3A_512 = arith.constant 0 : index
    %get3A_513 = arith.constant 0 : index
    %get3A_514 = vector.load %arg0[%get3A_511, %get3A_512, %get3A_513] : memref<25x1x4000xf32, #tpu.memory_space<vmem>>, vector<1x1x4000xf32>
    %get3A_515 = vector.shape_cast %get3A_514 : vector<1x1x4000xf32> to vector<1x4000xf32>
    %get3A_516 = arith.constant 32000 : index
    %get3A_517 = vector.load %arg1[%get3A_516] : memref<100000xf32, #tpu.memory_space<vmem>>, vector<4000xf32>
    %broadcast_in_dim3A_518 = vector.shape_cast %get3A_517 : vector<4000xf32> to vector<1x4000xf32>
    %add3A_519 = arith.addf %get3A_515, %broadcast_in_dim3A_518 : vector<1x4000xf32>
    %sub3A_520 = vector.broadcast %max3A_368 : f32 to vector<1x4000xf32>
    %sub3A_521 = arith.subf %add3A_519, %sub3A_520 : vector<1x4000xf32>
    %exp3A_522 = math.exp %sub3A_521 : vector<1x4000xf32>
    %reduce_sum3A_523 = vector.shape_cast %exp3A_522 : vector<1x4000xf32> to vector<1x1x4000xf32>
    %reduce_sum3A_524 = arith.constant dense<0.000000e+00> : vector<1xf32>
    %reduce_sum3A_525 = vector.multi_reduction <add>, %reduce_sum3A_523, %reduce_sum3A_524 [1, 2] : vector<1x1x4000xf32> to vector<1xf32>
    %reduce_sum3A_526 = vector.shape_cast %reduce_sum3A_525 : vector<1xf32> to vector<1x1x1xf32>
    %reduce_sum3A_527 = vector.extract %reduce_sum3A_526[0, 0, 0] : f32 from vector<1x1x1xf32>
    %add3A_528 = arith.addf %add3A_510, %reduce_sum3A_527 : f32
    %get3A_529 = arith.constant 9 : index
    %get3A_530 = arith.constant 0 : index
    %get3A_531 = arith.constant 0 : index
    %get3A_532 = vector.load %arg0[%get3A_529, %get3A_530, %get3A_531] : memref<25x1x4000xf32, #tpu.memory_space<vmem>>, vector<1x1x4000xf32>
    %get3A_533 = vector.shape_cast %get3A_532 : vector<1x1x4000xf32> to vector<1x4000xf32>
    %get3A_534 = arith.constant 36000 : index
    %get3A_535 = vector.load %arg1[%get3A_534] : memref<100000xf32, #tpu.memory_space<vmem>>, vector<4000xf32>
    %broadcast_in_dim3A_536 = vector.shape_cast %get3A_535 : vector<4000xf32> to vector<1x4000xf32>
    %add3A_537 = arith.addf %get3A_533, %broadcast_in_dim3A_536 : vector<1x4000xf32>
    %sub3A_538 = vector.broadcast %max3A_368 : f32 to vector<1x4000xf32>
    %sub3A_539 = arith.subf %add3A_537, %sub3A_538 : vector<1x4000xf32>
    %exp3A_540 = math.exp %sub3A_539 : vector<1x4000xf32>
    %reduce_sum3A_541 = vector.shape_cast %exp3A_540 : vector<1x4000xf32> to vector<1x1x4000xf32>
    %reduce_sum3A_542 = arith.constant dense<0.000000e+00> : vector<1xf32>
    %reduce_sum3A_543 = vector.multi_reduction <add>, %reduce_sum3A_541, %reduce_sum3A_542 [1, 2] : vector<1x1x4000xf32> to vector<1xf32>
    %reduce_sum3A_544 = vector.shape_cast %reduce_sum3A_543 : vector<1xf32> to vector<1x1x1xf32>
    %reduce_sum3A_545 = vector.extract %reduce_sum3A_544[0, 0, 0] : f32 from vector<1x1x1xf32>
    %add3A_546 = arith.addf %add3A_528, %reduce_sum3A_545 : f32
    %get3A_547 = arith.constant 10 : index
    %get3A_548 = arith.constant 0 : index
    %get3A_549 = arith.constant 0 : index
    %get3A_550 = vector.load %arg0[%get3A_547, %get3A_548, %get3A_549] : memref<25x1x4000xf32, #tpu.memory_space<vmem>>, vector<1x1x4000xf32>
    %get3A_551 = vector.shape_cast %get3A_550 : vector<1x1x4000xf32> to vector<1x4000xf32>
    %get3A_552 = arith.constant 40000 : index
    %get3A_553 = vector.load %arg1[%get3A_552] : memref<100000xf32, #tpu.memory_space<vmem>>, vector<4000xf32>
    %broadcast_in_dim3A_554 = vector.shape_cast %get3A_553 : vector<4000xf32> to vector<1x4000xf32>
    %add3A_555 = arith.addf %get3A_551, %broadcast_in_dim3A_554 : vector<1x4000xf32>
    %sub3A_556 = vector.broadcast %max3A_368 : f32 to vector<1x4000xf32>
    %sub3A_557 = arith.subf %add3A_555, %sub3A_556 : vector<1x4000xf32>
    %exp3A_558 = math.exp %sub3A_557 : vector<1x4000xf32>
    %reduce_sum3A_559 = vector.shape_cast %exp3A_558 : vector<1x4000xf32> to vector<1x1x4000xf32>
    %reduce_sum3A_560 = arith.constant dense<0.000000e+00> : vector<1xf32>
    %reduce_sum3A_561 = vector.multi_reduction <add>, %reduce_sum3A_559, %reduce_sum3A_560 [1, 2] : vector<1x1x4000xf32> to vector<1xf32>
    %reduce_sum3A_562 = vector.shape_cast %reduce_sum3A_561 : vector<1xf32> to vector<1x1x1xf32>
    %reduce_sum3A_563 = vector.extract %reduce_sum3A_562[0, 0, 0] : f32 from vector<1x1x1xf32>
    %add3A_564 = arith.addf %add3A_546, %reduce_sum3A_563 : f32
    %get3A_565 = arith.constant 11 : index
    %get3A_566 = arith.constant 0 : index
    %get3A_567 = arith.constant 0 : index
    %get3A_568 = vector.load %arg0[%get3A_565, %get3A_566, %get3A_567] : memref<25x1x4000xf32, #tpu.memory_space<vmem>>, vector<1x1x4000xf32>
    %get3A_569 = vector.shape_cast %get3A_568 : vector<1x1x4000xf32> to vector<1x4000xf32>
    %get3A_570 = arith.constant 44000 : index
    %get3A_571 = vector.load %arg1[%get3A_570] : memref<100000xf32, #tpu.memory_space<vmem>>, vector<4000xf32>
    %broadcast_in_dim3A_572 = vector.shape_cast %get3A_571 : vector<4000xf32> to vector<1x4000xf32>
    %add3A_573 = arith.addf %get3A_569, %broadcast_in_dim3A_572 : vector<1x4000xf32>
    %sub3A_574 = vector.broadcast %max3A_368 : f32 to vector<1x4000xf32>
    %sub3A_575 = arith.subf %add3A_573, %sub3A_574 : vector<1x4000xf32>
    %exp3A_576 = math.exp %sub3A_575 : vector<1x4000xf32>
    %reduce_sum3A_577 = vector.shape_cast %exp3A_576 : vector<1x4000xf32> to vector<1x1x4000xf32>
    %reduce_sum3A_578 = arith.constant dense<0.000000e+00> : vector<1xf32>
    %reduce_sum3A_579 = vector.multi_reduction <add>, %reduce_sum3A_577, %reduce_sum3A_578 [1, 2] : vector<1x1x4000xf32> to vector<1xf32>
    %reduce_sum3A_580 = vector.shape_cast %reduce_sum3A_579 : vector<1xf32> to vector<1x1x1xf32>
    %reduce_sum3A_581 = vector.extract %reduce_sum3A_580[0, 0, 0] : f32 from vector<1x1x1xf32>
    %add3A_582 = arith.addf %add3A_564, %reduce_sum3A_581 : f32
    %get3A_583 = arith.constant 12 : index
    %get3A_584 = arith.constant 0 : index
    %get3A_585 = arith.constant 0 : index
    %get3A_586 = vector.load %arg0[%get3A_583, %get3A_584, %get3A_585] : memref<25x1x4000xf32, #tpu.memory_space<vmem>>, vector<1x1x4000xf32>
    %get3A_587 = vector.shape_cast %get3A_586 : vector<1x1x4000xf32> to vector<1x4000xf32>
    %get3A_588 = arith.constant 48000 : index
    %get3A_589 = vector.load %arg1[%get3A_588] : memref<100000xf32, #tpu.memory_space<vmem>>, vector<4000xf32>
    %broadcast_in_dim3A_590 = vector.shape_cast %get3A_589 : vector<4000xf32> to vector<1x4000xf32>
    %add3A_591 = arith.addf %get3A_587, %broadcast_in_dim3A_590 : vector<1x4000xf32>
    %sub3A_592 = vector.broadcast %max3A_368 : f32 to vector<1x4000xf32>
    %sub3A_593 = arith.subf %add3A_591, %sub3A_592 : vector<1x4000xf32>
    %exp3A_594 = math.exp %sub3A_593 : vector<1x4000xf32>
    %reduce_sum3A_595 = vector.shape_cast %exp3A_594 : vector<1x4000xf32> to vector<1x1x4000xf32>
    %reduce_sum3A_596 = arith.constant dense<0.000000e+00> : vector<1xf32>
    %reduce_sum3A_597 = vector.multi_reduction <add>, %reduce_sum3A_595, %reduce_sum3A_596 [1, 2] : vector<1x1x4000xf32> to vector<1xf32>
    %reduce_sum3A_598 = vector.shape_cast %reduce_sum3A_597 : vector<1xf32> to vector<1x1x1xf32>
    %reduce_sum3A_599 = vector.extract %reduce_sum3A_598[0, 0, 0] : f32 from vector<1x1x1xf32>
    %add3A_600 = arith.addf %add3A_582, %reduce_sum3A_599 : f32
    %get3A_601 = arith.constant 13 : index
    %get3A_602 = arith.constant 0 : index
    %get3A_603 = arith.constant 0 : index
    %get3A_604 = vector.load %arg0[%get3A_601, %get3A_602, %get3A_603] : memref<25x1x4000xf32, #tpu.memory_space<vmem>>, vector<1x1x4000xf32>
    %get3A_605 = vector.shape_cast %get3A_604 : vector<1x1x4000xf32> to vector<1x4000xf32>
    %get3A_606 = arith.constant 52000 : index
    %get3A_607 = vector.load %arg1[%get3A_606] : memref<100000xf32, #tpu.memory_space<vmem>>, vector<4000xf32>
    %broadcast_in_dim3A_608 = vector.shape_cast %get3A_607 : vector<4000xf32> to vector<1x4000xf32>
    %add3A_609 = arith.addf %get3A_605, %broadcast_in_dim3A_608 : vector<1x4000xf32>
    %sub3A_610 = vector.broadcast %max3A_368 : f32 to vector<1x4000xf32>
    %sub3A_611 = arith.subf %add3A_609, %sub3A_610 : vector<1x4000xf32>
    %exp3A_612 = math.exp %sub3A_611 : vector<1x4000xf32>
    %reduce_sum3A_613 = vector.shape_cast %exp3A_612 : vector<1x4000xf32> to vector<1x1x4000xf32>
    %reduce_sum3A_614 = arith.constant dense<0.000000e+00> : vector<1xf32>
    %reduce_sum3A_615 = vector.multi_reduction <add>, %reduce_sum3A_613, %reduce_sum3A_614 [1, 2] : vector<1x1x4000xf32> to vector<1xf32>
    %reduce_sum3A_616 = vector.shape_cast %reduce_sum3A_615 : vector<1xf32> to vector<1x1x1xf32>
    %reduce_sum3A_617 = vector.extract %reduce_sum3A_616[0, 0, 0] : f32 from vector<1x1x1xf32>
    %add3A_618 = arith.addf %add3A_600, %reduce_sum3A_617 : f32
    %get3A_619 = arith.constant 14 : index
    %get3A_620 = arith.constant 0 : index
    %get3A_621 = arith.constant 0 : index
    %get3A_622 = vector.load %arg0[%get3A_619, %get3A_620, %get3A_621] : memref<25x1x4000xf32, #tpu.memory_space<vmem>>, vector<1x1x4000xf32>
    %get3A_623 = vector.shape_cast %get3A_622 : vector<1x1x4000xf32> to vector<1x4000xf32>
    %get3A_624 = arith.constant 56000 : index
    %get3A_625 = vector.load %arg1[%get3A_624] : memref<100000xf32, #tpu.memory_space<vmem>>, vector<4000xf32>
    %broadcast_in_dim3A_626 = vector.shape_cast %get3A_625 : vector<4000xf32> to vector<1x4000xf32>
    %add3A_627 = arith.addf %get3A_623, %broadcast_in_dim3A_626 : vector<1x4000xf32>
    %sub3A_628 = vector.broadcast %max3A_368 : f32 to vector<1x4000xf32>
    %sub3A_629 = arith.subf %add3A_627, %sub3A_628 : vector<1x4000xf32>
    %exp3A_630 = math.exp %sub3A_629 : vector<1x4000xf32>
    %reduce_sum3A_631 = vector.shape_cast %exp3A_630 : vector<1x4000xf32> to vector<1x1x4000xf32>
    %reduce_sum3A_632 = arith.constant dense<0.000000e+00> : vector<1xf32>
    %reduce_sum3A_633 = vector.multi_reduction <add>, %reduce_sum3A_631, %reduce_sum3A_632 [1, 2] : vector<1x1x4000xf32> to vector<1xf32>
    %reduce_sum3A_634 = vector.shape_cast %reduce_sum3A_633 : vector<1xf32> to vector<1x1x1xf32>
    %reduce_sum3A_635 = vector.extract %reduce_sum3A_634[0, 0, 0] : f32 from vector<1x1x1xf32>
    %add3A_636 = arith.addf %add3A_618, %reduce_sum3A_635 : f32
    %get3A_637 = arith.constant 15 : index
    %get3A_638 = arith.constant 0 : index
    %get3A_639 = arith.constant 0 : index
    %get3A_640 = vector.load %arg0[%get3A_637, %get3A_638, %get3A_639] : memref<25x1x4000xf32, #tpu.memory_space<vmem>>, vector<1x1x4000xf32>
    %get3A_641 = vector.shape_cast %get3A_640 : vector<1x1x4000xf32> to vector<1x4000xf32>
    %get3A_642 = arith.constant 60000 : index
    %get3A_643 = vector.load %arg1[%get3A_642] : memref<100000xf32, #tpu.memory_space<vmem>>, vector<4000xf32>
    %broadcast_in_dim3A_644 = vector.shape_cast %get3A_643 : vector<4000xf32> to vector<1x4000xf32>
    %add3A_645 = arith.addf %get3A_641, %broadcast_in_dim3A_644 : vector<1x4000xf32>
    %sub3A_646 = vector.broadcast %max3A_368 : f32 to vector<1x4000xf32>
    %sub3A_647 = arith.subf %add3A_645, %sub3A_646 : vector<1x4000xf32>
    %exp3A_648 = math.exp %sub3A_647 : vector<1x4000xf32>
    %reduce_sum3A_649 = vector.shape_cast %exp3A_648 : vector<1x4000xf32> to vector<1x1x4000xf32>
    %reduce_sum3A_650 = arith.constant dense<0.000000e+00> : vector<1xf32>
    %reduce_sum3A_651 = vector.multi_reduction <add>, %reduce_sum3A_649, %reduce_sum3A_650 [1, 2] : vector<1x1x4000xf32> to vector<1xf32>
    %reduce_sum3A_652 = vector.shape_cast %reduce_sum3A_651 : vector<1xf32> to vector<1x1x1xf32>
    %reduce_sum3A_653 = vector.extract %reduce_sum3A_652[0, 0, 0] : f32 from vector<1x1x1xf32>
    %add3A_654 = arith.addf %add3A_636, %reduce_sum3A_653 : f32
    %get3A_655 = arith.constant 16 : index
    %get3A_656 = arith.constant 0 : index
    %get3A_657 = arith.constant 0 : index
    %get3A_658 = vector.load %arg0[%get3A_655, %get3A_656, %get3A_657] : memref<25x1x4000xf32, #tpu.memory_space<vmem>>, vector<1x1x4000xf32>
    %get3A_659 = vector.shape_cast %get3A_658 : vector<1x1x4000xf32> to vector<1x4000xf32>
    %get3A_660 = arith.constant 64000 : index
    %get3A_661 = vector.load %arg1[%get3A_660] : memref<100000xf32, #tpu.memory_space<vmem>>, vector<4000xf32>
    %broadcast_in_dim3A_662 = vector.shape_cast %get3A_661 : vector<4000xf32> to vector<1x4000xf32>
    %add3A_663 = arith.addf %get3A_659, %broadcast_in_dim3A_662 : vector<1x4000xf32>
    %sub3A_664 = vector.broadcast %max3A_368 : f32 to vector<1x4000xf32>
    %sub3A_665 = arith.subf %add3A_663, %sub3A_664 : vector<1x4000xf32>
    %exp3A_666 = math.exp %sub3A_665 : vector<1x4000xf32>
    %reduce_sum3A_667 = vector.shape_cast %exp3A_666 : vector<1x4000xf32> to vector<1x1x4000xf32>
    %reduce_sum3A_668 = arith.constant dense<0.000000e+00> : vector<1xf32>
    %reduce_sum3A_669 = vector.multi_reduction <add>, %reduce_sum3A_667, %reduce_sum3A_668 [1, 2] : vector<1x1x4000xf32> to vector<1xf32>
    %reduce_sum3A_670 = vector.shape_cast %reduce_sum3A_669 : vector<1xf32> to vector<1x1x1xf32>
    %reduce_sum3A_671 = vector.extract %reduce_sum3A_670[0, 0, 0] : f32 from vector<1x1x1xf32>
    %add3A_672 = arith.addf %add3A_654, %reduce_sum3A_671 : f32
    %get3A_673 = arith.constant 17 : index
    %get3A_674 = arith.constant 0 : index
    %get3A_675 = arith.constant 0 : index
    %get3A_676 = vector.load %arg0[%get3A_673, %get3A_674, %get3A_675] : memref<25x1x4000xf32, #tpu.memory_space<vmem>>, vector<1x1x4000xf32>
    %get3A_677 = vector.shape_cast %get3A_676 : vector<1x1x4000xf32> to vector<1x4000xf32>
    %get3A_678 = arith.constant 68000 : index
    %get3A_679 = vector.load %arg1[%get3A_678] : memref<100000xf32, #tpu.memory_space<vmem>>, vector<4000xf32>
    %broadcast_in_dim3A_680 = vector.shape_cast %get3A_679 : vector<4000xf32> to vector<1x4000xf32>
    %add3A_681 = arith.addf %get3A_677, %broadcast_in_dim3A_680 : vector<1x4000xf32>
    %sub3A_682 = vector.broadcast %max3A_368 : f32 to vector<1x4000xf32>
    %sub3A_683 = arith.subf %add3A_681, %sub3A_682 : vector<1x4000xf32>
    %exp3A_684 = math.exp %sub3A_683 : vector<1x4000xf32>
    %reduce_sum3A_685 = vector.shape_cast %exp3A_684 : vector<1x4000xf32> to vector<1x1x4000xf32>
    %reduce_sum3A_686 = arith.constant dense<0.000000e+00> : vector<1xf32>
    %reduce_sum3A_687 = vector.multi_reduction <add>, %reduce_sum3A_685, %reduce_sum3A_686 [1, 2] : vector<1x1x4000xf32> to vector<1xf32>
    %reduce_sum3A_688 = vector.shape_cast %reduce_sum3A_687 : vector<1xf32> to vector<1x1x1xf32>
    %reduce_sum3A_689 = vector.extract %reduce_sum3A_688[0, 0, 0] : f32 from vector<1x1x1xf32>
    %add3A_690 = arith.addf %add3A_672, %reduce_sum3A_689 : f32
    %get3A_691 = arith.constant 18 : index
    %get3A_692 = arith.constant 0 : index
    %get3A_693 = arith.constant 0 : index
    %get3A_694 = vector.load %arg0[%get3A_691, %get3A_692, %get3A_693] : memref<25x1x4000xf32, #tpu.memory_space<vmem>>, vector<1x1x4000xf32>
    %get3A_695 = vector.shape_cast %get3A_694 : vector<1x1x4000xf32> to vector<1x4000xf32>
    %get3A_696 = arith.constant 72000 : index
    %get3A_697 = vector.load %arg1[%get3A_696] : memref<100000xf32, #tpu.memory_space<vmem>>, vector<4000xf32>
    %broadcast_in_dim3A_698 = vector.shape_cast %get3A_697 : vector<4000xf32> to vector<1x4000xf32>
    %add3A_699 = arith.addf %get3A_695, %broadcast_in_dim3A_698 : vector<1x4000xf32>
    %sub3A_700 = vector.broadcast %max3A_368 : f32 to vector<1x4000xf32>
    %sub3A_701 = arith.subf %add3A_699, %sub3A_700 : vector<1x4000xf32>
    %exp3A_702 = math.exp %sub3A_701 : vector<1x4000xf32>
    %reduce_sum3A_703 = vector.shape_cast %exp3A_702 : vector<1x4000xf32> to vector<1x1x4000xf32>
    %reduce_sum3A_704 = arith.constant dense<0.000000e+00> : vector<1xf32>
    %reduce_sum3A_705 = vector.multi_reduction <add>, %reduce_sum3A_703, %reduce_sum3A_704 [1, 2] : vector<1x1x4000xf32> to vector<1xf32>
    %reduce_sum3A_706 = vector.shape_cast %reduce_sum3A_705 : vector<1xf32> to vector<1x1x1xf32>
    %reduce_sum3A_707 = vector.extract %reduce_sum3A_706[0, 0, 0] : f32 from vector<1x1x1xf32>
    %add3A_708 = arith.addf %add3A_690, %reduce_sum3A_707 : f32
    %get3A_709 = arith.constant 19 : index
    %get3A_710 = arith.constant 0 : index
    %get3A_711 = arith.constant 0 : index
    %get3A_712 = vector.load %arg0[%get3A_709, %get3A_710, %get3A_711] : memref<25x1x4000xf32, #tpu.memory_space<vmem>>, vector<1x1x4000xf32>
    %get3A_713 = vector.shape_cast %get3A_712 : vector<1x1x4000xf32> to vector<1x4000xf32>
    %get3A_714 = arith.constant 76000 : index
    %get3A_715 = vector.load %arg1[%get3A_714] : memref<100000xf32, #tpu.memory_space<vmem>>, vector<4000xf32>
    %broadcast_in_dim3A_716 = vector.shape_cast %get3A_715 : vector<4000xf32> to vector<1x4000xf32>
    %add3A_717 = arith.addf %get3A_713, %broadcast_in_dim3A_716 : vector<1x4000xf32>
    %sub3A_718 = vector.broadcast %max3A_368 : f32 to vector<1x4000xf32>
    %sub3A_719 = arith.subf %add3A_717, %sub3A_718 : vector<1x4000xf32>
    %exp3A_720 = math.exp %sub3A_719 : vector<1x4000xf32>
    %reduce_sum3A_721 = vector.shape_cast %exp3A_720 : vector<1x4000xf32> to vector<1x1x4000xf32>
    %reduce_sum3A_722 = arith.constant dense<0.000000e+00> : vector<1xf32>
    %reduce_sum3A_723 = vector.multi_reduction <add>, %reduce_sum3A_721, %reduce_sum3A_722 [1, 2] : vector<1x1x4000xf32> to vector<1xf32>
    %reduce_sum3A_724 = vector.shape_cast %reduce_sum3A_723 : vector<1xf32> to vector<1x1x1xf32>
    %reduce_sum3A_725 = vector.extract %reduce_sum3A_724[0, 0, 0] : f32 from vector<1x1x1xf32>
    %add3A_726 = arith.addf %add3A_708, %reduce_sum3A_725 : f32
    %get3A_727 = arith.constant 20 : index
    %get3A_728 = arith.constant 0 : index
    %get3A_729 = arith.constant 0 : index
    %get3A_730 = vector.load %arg0[%get3A_727, %get3A_728, %get3A_729] : memref<25x1x4000xf32, #tpu.memory_space<vmem>>, vector<1x1x4000xf32>
    %get3A_731 = vector.shape_cast %get3A_730 : vector<1x1x4000xf32> to vector<1x4000xf32>
    %get3A_732 = arith.constant 80000 : index
    %get3A_733 = vector.load %arg1[%get3A_732] : memref<100000xf32, #tpu.memory_space<vmem>>, vector<4000xf32>
    %broadcast_in_dim3A_734 = vector.shape_cast %get3A_733 : vector<4000xf32> to vector<1x4000xf32>
    %add3A_735 = arith.addf %get3A_731, %broadcast_in_dim3A_734 : vector<1x4000xf32>
    %sub3A_736 = vector.broadcast %max3A_368 : f32 to vector<1x4000xf32>
    %sub3A_737 = arith.subf %add3A_735, %sub3A_736 : vector<1x4000xf32>
    %exp3A_738 = math.exp %sub3A_737 : vector<1x4000xf32>
    %reduce_sum3A_739 = vector.shape_cast %exp3A_738 : vector<1x4000xf32> to vector<1x1x4000xf32>
    %reduce_sum3A_740 = arith.constant dense<0.000000e+00> : vector<1xf32>
    %reduce_sum3A_741 = vector.multi_reduction <add>, %reduce_sum3A_739, %reduce_sum3A_740 [1, 2] : vector<1x1x4000xf32> to vector<1xf32>
    %reduce_sum3A_742 = vector.shape_cast %reduce_sum3A_741 : vector<1xf32> to vector<1x1x1xf32>
    %reduce_sum3A_743 = vector.extract %reduce_sum3A_742[0, 0, 0] : f32 from vector<1x1x1xf32>
    %add3A_744 = arith.addf %add3A_726, %reduce_sum3A_743 : f32
    %get3A_745 = arith.constant 21 : index
    %get3A_746 = arith.constant 0 : index
    %get3A_747 = arith.constant 0 : index
    %get3A_748 = vector.load %arg0[%get3A_745, %get3A_746, %get3A_747] : memref<25x1x4000xf32, #tpu.memory_space<vmem>>, vector<1x1x4000xf32>
    %get3A_749 = vector.shape_cast %get3A_748 : vector<1x1x4000xf32> to vector<1x4000xf32>
    %get3A_750 = arith.constant 84000 : index
    %get3A_751 = vector.load %arg1[%get3A_750] : memref<100000xf32, #tpu.memory_space<vmem>>, vector<4000xf32>
    %broadcast_in_dim3A_752 = vector.shape_cast %get3A_751 : vector<4000xf32> to vector<1x4000xf32>
    %add3A_753 = arith.addf %get3A_749, %broadcast_in_dim3A_752 : vector<1x4000xf32>
    %sub3A_754 = vector.broadcast %max3A_368 : f32 to vector<1x4000xf32>
    %sub3A_755 = arith.subf %add3A_753, %sub3A_754 : vector<1x4000xf32>
    %exp3A_756 = math.exp %sub3A_755 : vector<1x4000xf32>
    %reduce_sum3A_757 = vector.shape_cast %exp3A_756 : vector<1x4000xf32> to vector<1x1x4000xf32>
    %reduce_sum3A_758 = arith.constant dense<0.000000e+00> : vector<1xf32>
    %reduce_sum3A_759 = vector.multi_reduction <add>, %reduce_sum3A_757, %reduce_sum3A_758 [1, 2] : vector<1x1x4000xf32> to vector<1xf32>
    %reduce_sum3A_760 = vector.shape_cast %reduce_sum3A_759 : vector<1xf32> to vector<1x1x1xf32>
    %reduce_sum3A_761 = vector.extract %reduce_sum3A_760[0, 0, 0] : f32 from vector<1x1x1xf32>
    %add3A_762 = arith.addf %add3A_744, %reduce_sum3A_761 : f32
    %get3A_763 = arith.constant 22 : index
    %get3A_764 = arith.constant 0 : index
    %get3A_765 = arith.constant 0 : index
    %get3A_766 = vector.load %arg0[%get3A_763, %get3A_764, %get3A_765] : memref<25x1x4000xf32, #tpu.memory_space<vmem>>, vector<1x1x4000xf32>
    %get3A_767 = vector.shape_cast %get3A_766 : vector<1x1x4000xf32> to vector<1x4000xf32>
    %get3A_768 = arith.constant 88000 : index
    %get3A_769 = vector.load %arg1[%get3A_768] : memref<100000xf32, #tpu.memory_space<vmem>>, vector<4000xf32>
    %broadcast_in_dim3A_770 = vector.shape_cast %get3A_769 : vector<4000xf32> to vector<1x4000xf32>
    %add3A_771 = arith.addf %get3A_767, %broadcast_in_dim3A_770 : vector<1x4000xf32>
    %sub3A_772 = vector.broadcast %max3A_368 : f32 to vector<1x4000xf32>
    %sub3A_773 = arith.subf %add3A_771, %sub3A_772 : vector<1x4000xf32>
    %exp3A_774 = math.exp %sub3A_773 : vector<1x4000xf32>
    %reduce_sum3A_775 = vector.shape_cast %exp3A_774 : vector<1x4000xf32> to vector<1x1x4000xf32>
    %reduce_sum3A_776 = arith.constant dense<0.000000e+00> : vector<1xf32>
    %reduce_sum3A_777 = vector.multi_reduction <add>, %reduce_sum3A_775, %reduce_sum3A_776 [1, 2] : vector<1x1x4000xf32> to vector<1xf32>
    %reduce_sum3A_778 = vector.shape_cast %reduce_sum3A_777 : vector<1xf32> to vector<1x1x1xf32>
    %reduce_sum3A_779 = vector.extract %reduce_sum3A_778[0, 0, 0] : f32 from vector<1x1x1xf32>
    %add3A_780 = arith.addf %add3A_762, %reduce_sum3A_779 : f32
    %get3A_781 = arith.constant 23 : index
    %get3A_782 = arith.constant 0 : index
    %get3A_783 = arith.constant 0 : index
    %get3A_784 = vector.load %arg0[%get3A_781, %get3A_782, %get3A_783] : memref<25x1x4000xf32, #tpu.memory_space<vmem>>, vector<1x1x4000xf32>
    %get3A_785 = vector.shape_cast %get3A_784 : vector<1x1x4000xf32> to vector<1x4000xf32>
    %get3A_786 = arith.constant 92000 : index
    %get3A_787 = vector.load %arg1[%get3A_786] : memref<100000xf32, #tpu.memory_space<vmem>>, vector<4000xf32>
    %broadcast_in_dim3A_788 = vector.shape_cast %get3A_787 : vector<4000xf32> to vector<1x4000xf32>
    %add3A_789 = arith.addf %get3A_785, %broadcast_in_dim3A_788 : vector<1x4000xf32>
    %sub3A_790 = vector.broadcast %max3A_368 : f32 to vector<1x4000xf32>
    %sub3A_791 = arith.subf %add3A_789, %sub3A_790 : vector<1x4000xf32>
    %exp3A_792 = math.exp %sub3A_791 : vector<1x4000xf32>
    %reduce_sum3A_793 = vector.shape_cast %exp3A_792 : vector<1x4000xf32> to vector<1x1x4000xf32>
    %reduce_sum3A_794 = arith.constant dense<0.000000e+00> : vector<1xf32>
    %reduce_sum3A_795 = vector.multi_reduction <add>, %reduce_sum3A_793, %reduce_sum3A_794 [1, 2] : vector<1x1x4000xf32> to vector<1xf32>
    %reduce_sum3A_796 = vector.shape_cast %reduce_sum3A_795 : vector<1xf32> to vector<1x1x1xf32>
    %reduce_sum3A_797 = vector.extract %reduce_sum3A_796[0, 0, 0] : f32 from vector<1x1x1xf32>
    %add3A_798 = arith.addf %add3A_780, %reduce_sum3A_797 : f32
    %get3A_799 = arith.constant 24 : index
    %get3A_800 = arith.constant 0 : index
    %get3A_801 = arith.constant 0 : index
    %get3A_802 = vector.load %arg0[%get3A_799, %get3A_800, %get3A_801] : memref<25x1x4000xf32, #tpu.memory_space<vmem>>, vector<1x1x4000xf32>
    %get3A_803 = vector.shape_cast %get3A_802 : vector<1x1x4000xf32> to vector<1x4000xf32>
    %get3A_804 = arith.constant 96000 : index
    %get3A_805 = vector.load %arg1[%get3A_804] : memref<100000xf32, #tpu.memory_space<vmem>>, vector<4000xf32>
    %broadcast_in_dim3A_806 = vector.shape_cast %get3A_805 : vector<4000xf32> to vector<1x4000xf32>
    %add3A_807 = arith.addf %get3A_803, %broadcast_in_dim3A_806 : vector<1x4000xf32>
    %sub3A_808 = vector.broadcast %max3A_368 : f32 to vector<1x4000xf32>
    %sub3A_809 = arith.subf %add3A_807, %sub3A_808 : vector<1x4000xf32>
    %exp3A_810 = math.exp %sub3A_809 : vector<1x4000xf32>
    %reduce_sum3A_811 = vector.shape_cast %exp3A_810 : vector<1x4000xf32> to vector<1x1x4000xf32>
    %reduce_sum3A_812 = arith.constant dense<0.000000e+00> : vector<1xf32>
    %reduce_sum3A_813 = vector.multi_reduction <add>, %reduce_sum3A_811, %reduce_sum3A_812 [1, 2] : vector<1x1x4000xf32> to vector<1xf32>
    %reduce_sum3A_814 = vector.shape_cast %reduce_sum3A_813 : vector<1xf32> to vector<1x1x1xf32>
    %reduce_sum3A_815 = vector.extract %reduce_sum3A_814[0, 0, 0] : f32 from vector<1x1x1xf32>
    %add3A_816 = arith.addf %add3A_798, %reduce_sum3A_815 : f32
    %log3A = math.log %add3A_816 : f32
    %add3A_817 = arith.addf %max3A_368, %log3A : f32
    %get3A_818 = arith.constant 0 : index
    %get3A_819 = arith.constant 0 : index
    %get3A_820 = arith.constant 0 : index
    %get3A_821 = vector.load %arg0[%get3A_818, %get3A_819, %get3A_820] : memref<25x1x4000xf32, #tpu.memory_space<vmem>>, vector<1x1x4000xf32>
    %get3A_822 = vector.shape_cast %get3A_821 : vector<1x1x4000xf32> to vector<1x4000xf32>
    %get3A_823 = arith.constant 0 : index
    %get3A_824 = vector.load %arg1[%get3A_823] : memref<100000xf32, #tpu.memory_space<vmem>>, vector<4000xf32>
    %broadcast_in_dim3A_825 = vector.shape_cast %get3A_824 : vector<4000xf32> to vector<1x4000xf32>
    %add3A_826 = arith.addf %get3A_822, %broadcast_in_dim3A_825 : vector<1x4000xf32>
    %sub3A_827 = vector.broadcast %add3A_817 : f32 to vector<1x4000xf32>
    %sub3A_828 = arith.subf %add3A_826, %sub3A_827 : vector<1x4000xf32>
    %swap3A = arith.constant 0 : index
    %swap3A_829 = arith.constant 0 : index
    %swap3A_830 = vector.load %arg2[%swap3A, %swap3A_829] : memref<1x100000xf32, #tpu.memory_space<vmem>>, vector<1x4000xf32>
    tpu.vector_store %arg2[%swap3A, %swap3A_829], %sub3A_828 {strides = array<i32>} : memref<1x100000xf32, #tpu.memory_space<vmem>>, vector<1x4000xf32>,
    %get3A_831 = arith.constant 1 : index
    %get3A_832 = arith.constant 0 : index
    %get3A_833 = arith.constant 0 : index
    %get3A_834 = vector.load %arg0[%get3A_831, %get3A_832, %get3A_833] : memref<25x1x4000xf32, #tpu.memory_space<vmem>>, vector<1x1x4000xf32>
    %get3A_835 = vector.shape_cast %get3A_834 : vector<1x1x4000xf32> to vector<1x4000xf32>
    %get3A_836 = arith.constant 4000 : index
    %get3A_837 = vector.load %arg1[%get3A_836] : memref<100000xf32, #tpu.memory_space<vmem>>, vector<4000xf32>
    %broadcast_in_dim3A_838 = vector.shape_cast %get3A_837 : vector<4000xf32> to vector<1x4000xf32>
    %add3A_839 = arith.addf %get3A_835, %broadcast_in_dim3A_838 : vector<1x4000xf32>
    %sub3A_840 = vector.broadcast %add3A_817 : f32 to vector<1x4000xf32>
    %sub3A_841 = arith.subf %add3A_839, %sub3A_840 : vector<1x4000xf32>
    %swap3A_842 = arith.constant 0 : index
    %swap3A_843 = arith.constant 4000 : index
    %swap3A_844 = vector.load %arg2[%swap3A_842, %swap3A_843] : memref<1x100000xf32, #tpu.memory_space<vmem>>, vector<1x4000xf32>
    tpu.vector_store %arg2[%swap3A_842, %swap3A_843], %sub3A_841 {strides = array<i32>} : memref<1x100000xf32, #tpu.memory_space<vmem>>, vector<1x4000xf32>,
    %get3A_845 = arith.constant 2 : index
    %get3A_846 = arith.constant 0 : index
    %get3A_847 = arith.constant 0 : index
    %get3A_848 = vector.load %arg0[%get3A_845, %get3A_846, %get3A_847] : memref<25x1x4000xf32, #tpu.memory_space<vmem>>, vector<1x1x4000xf32>
    %get3A_849 = vector.shape_cast %get3A_848 : vector<1x1x4000xf32> to vector<1x4000xf32>
    %get3A_850 = arith.constant 8000 : index
    %get3A_851 = vector.load %arg1[%get3A_850] : memref<100000xf32, #tpu.memory_space<vmem>>, vector<4000xf32>
    %broadcast_in_dim3A_852 = vector.shape_cast %get3A_851 : vector<4000xf32> to vector<1x4000xf32>
    %add3A_853 = arith.addf %get3A_849, %broadcast_in_dim3A_852 : vector<1x4000xf32>
    %sub3A_854 = vector.broadcast %add3A_817 : f32 to vector<1x4000xf32>
    %sub3A_855 = arith.subf %add3A_853, %sub3A_854 : vector<1x4000xf32>
    %swap3A_856 = arith.constant 0 : index
    %swap3A_857 = arith.constant 8000 : index
    %swap3A_858 = vector.load %arg2[%swap3A_856, %swap3A_857] : memref<1x100000xf32, #tpu.memory_space<vmem>>, vector<1x4000xf32>
    tpu.vector_store %arg2[%swap3A_856, %swap3A_857], %sub3A_855 {strides = array<i32>} : memref<1x100000xf32, #tpu.memory_space<vmem>>, vector<1x4000xf32>,
    %get3A_859 = arith.constant 3 : index
    %get3A_860 = arith.constant 0 : index
    %get3A_861 = arith.constant 0 : index
    %get3A_862 = vector.load %arg0[%get3A_859, %get3A_860, %get3A_861] : memref<25x1x4000xf32, #tpu.memory_space<vmem>>, vector<1x1x4000xf32>
    %get3A_863 = vector.shape_cast %get3A_862 : vector<1x1x4000xf32> to vector<1x4000xf32>
    %get3A_864 = arith.constant 12000 : index
    %get3A_865 = vector.load %arg1[%get3A_864] : memref<100000xf32, #tpu.memory_space<vmem>>, vector<4000xf32>
    %broadcast_in_dim3A_866 = vector.shape_cast %get3A_865 : vector<4000xf32> to vector<1x4000xf32>
    %add3A_867 = arith.addf %get3A_863, %broadcast_in_dim3A_866 : vector<1x4000xf32>
    %sub3A_868 = vector.broadcast %add3A_817 : f32 to vector<1x4000xf32>
    %sub3A_869 = arith.subf %add3A_867, %sub3A_868 : vector<1x4000xf32>
    %swap3A_870 = arith.constant 0 : index
    %swap3A_871 = arith.constant 12000 : index
    %swap3A_872 = vector.load %arg2[%swap3A_870, %swap3A_871] : memref<1x100000xf32, #tpu.memory_space<vmem>>, vector<1x4000xf32>
    tpu.vector_store %arg2[%swap3A_870, %swap3A_871], %sub3A_869 {strides = array<i32>} : memref<1x100000xf32, #tpu.memory_space<vmem>>, vector<1x4000xf32>,
    %get3A_873 = arith.constant 4 : index
    %get3A_874 = arith.constant 0 : index
    %get3A_875 = arith.constant 0 : index
    %get3A_876 = vector.load %arg0[%get3A_873, %get3A_874, %get3A_875] : memref<25x1x4000xf32, #tpu.memory_space<vmem>>, vector<1x1x4000xf32>
    %get3A_877 = vector.shape_cast %get3A_876 : vector<1x1x4000xf32> to vector<1x4000xf32>
    %get3A_878 = arith.constant 16000 : index
    %get3A_879 = vector.load %arg1[%get3A_878] : memref<100000xf32, #tpu.memory_space<vmem>>, vector<4000xf32>
    %broadcast_in_dim3A_880 = vector.shape_cast %get3A_879 : vector<4000xf32> to vector<1x4000xf32>
    %add3A_881 = arith.addf %get3A_877, %broadcast_in_dim3A_880 : vector<1x4000xf32>
    %sub3A_882 = vector.broadcast %add3A_817 : f32 to vector<1x4000xf32>
    %sub3A_883 = arith.subf %add3A_881, %sub3A_882 : vector<1x4000xf32>
    %swap3A_884 = arith.constant 0 : index
    %swap3A_885 = arith.constant 16000 : index
    %swap3A_886 = vector.load %arg2[%swap3A_884, %swap3A_885] : memref<1x100000xf32, #tpu.memory_space<vmem>>, vector<1x4000xf32>
    tpu.vector_store %arg2[%swap3A_884, %swap3A_885], %sub3A_883 {strides = array<i32>} : memref<1x100000xf32, #tpu.memory_space<vmem>>, vector<1x4000xf32>,
    %get3A_887 = arith.constant 5 : index
    %get3A_888 = arith.constant 0 : index
    %get3A_889 = arith.constant 0 : index
    %get3A_890 = vector.load %arg0[%get3A_887, %get3A_888, %get3A_889] : memref<25x1x4000xf32, #tpu.memory_space<vmem>>, vector<1x1x4000xf32>
    %get3A_891 = vector.shape_cast %get3A_890 : vector<1x1x4000xf32> to vector<1x4000xf32>
    %get3A_892 = arith.constant 20000 : index
    %get3A_893 = vector.load %arg1[%get3A_892] : memref<100000xf32, #tpu.memory_space<vmem>>, vector<4000xf32>
    %broadcast_in_dim3A_894 = vector.shape_cast %get3A_893 : vector<4000xf32> to vector<1x4000xf32>
    %add3A_895 = arith.addf %get3A_891, %broadcast_in_dim3A_894 : vector<1x4000xf32>
    %sub3A_896 = vector.broadcast %add3A_817 : f32 to vector<1x4000xf32>
    %sub3A_897 = arith.subf %add3A_895, %sub3A_896 : vector<1x4000xf32>
    %swap3A_898 = arith.constant 0 : index
    %swap3A_899 = arith.constant 20000 : index
    %swap3A_900 = vector.load %arg2[%swap3A_898, %swap3A_899] : memref<1x100000xf32, #tpu.memory_space<vmem>>, vector<1x4000xf32>
    tpu.vector_store %arg2[%swap3A_898, %swap3A_899], %sub3A_897 {strides = array<i32>} : memref<1x100000xf32, #tpu.memory_space<vmem>>, vector<1x4000xf32>,
    %get3A_901 = arith.constant 6 : index
    %get3A_902 = arith.constant 0 : index
    %get3A_903 = arith.constant 0 : index
    %get3A_904 = vector.load %arg0[%get3A_901, %get3A_902, %get3A_903] : memref<25x1x4000xf32, #tpu.memory_space<vmem>>, vector<1x1x4000xf32>
    %get3A_905 = vector.shape_cast %get3A_904 : vector<1x1x4000xf32> to vector<1x4000xf32>
    %get3A_906 = arith.constant 24000 : index
    %get3A_907 = vector.load %arg1[%get3A_906] : memref<100000xf32, #tpu.memory_space<vmem>>, vector<4000xf32>
    %broadcast_in_dim3A_908 = vector.shape_cast %get3A_907 : vector<4000xf32> to vector<1x4000xf32>
    %add3A_909 = arith.addf %get3A_905, %broadcast_in_dim3A_908 : vector<1x4000xf32>
    %sub3A_910 = vector.broadcast %add3A_817 : f32 to vector<1x4000xf32>
    %sub3A_911 = arith.subf %add3A_909, %sub3A_910 : vector<1x4000xf32>
    %swap3A_912 = arith.constant 0 : index
    %swap3A_913 = arith.constant 24000 : index
    %swap3A_914 = vector.load %arg2[%swap3A_912, %swap3A_913] : memref<1x100000xf32, #tpu.memory_space<vmem>>, vector<1x4000xf32>
    tpu.vector_store %arg2[%swap3A_912, %swap3A_913], %sub3A_911 {strides = array<i32>} : memref<1x100000xf32, #tpu.memory_space<vmem>>, vector<1x4000xf32>,
    %get3A_915 = arith.constant 7 : index
    %get3A_916 = arith.constant 0 : index
    %get3A_917 = arith.constant 0 : index
    %get3A_918 = vector.load %arg0[%get3A_915, %get3A_916, %get3A_917] : memref<25x1x4000xf32, #tpu.memory_space<vmem>>, vector<1x1x4000xf32>
    %get3A_919 = vector.shape_cast %get3A_918 : vector<1x1x4000xf32> to vector<1x4000xf32>
    %get3A_920 = arith.constant 28000 : index
    %get3A_921 = vector.load %arg1[%get3A_920] : memref<100000xf32, #tpu.memory_space<vmem>>, vector<4000xf32>
    %broadcast_in_dim3A_922 = vector.shape_cast %get3A_921 : vector<4000xf32> to vector<1x4000xf32>
    %add3A_923 = arith.addf %get3A_919, %broadcast_in_dim3A_922 : vector<1x4000xf32>
    %sub3A_924 = vector.broadcast %add3A_817 : f32 to vector<1x4000xf32>
    %sub3A_925 = arith.subf %add3A_923, %sub3A_924 : vector<1x4000xf32>
    %swap3A_926 = arith.constant 0 : index
    %swap3A_927 = arith.constant 28000 : index
    %swap3A_928 = vector.load %arg2[%swap3A_926, %swap3A_927] : memref<1x100000xf32, #tpu.memory_space<vmem>>, vector<1x4000xf32>
    tpu.vector_store %arg2[%swap3A_926, %swap3A_927], %sub3A_925 {strides = array<i32>} : memref<1x100000xf32, #tpu.memory_space<vmem>>, vector<1x4000xf32>,
    %get3A_929 = arith.constant 8 : index
    %get3A_930 = arith.constant 0 : index
    %get3A_931 = arith.constant 0 : index
    %get3A_932 = vector.load %arg0[%get3A_929, %get3A_930, %get3A_931] : memref<25x1x4000xf32, #tpu.memory_space<vmem>>, vector<1x1x4000xf32>
    %get3A_933 = vector.shape_cast %get3A_932 : vector<1x1x4000xf32> to vector<1x4000xf32>
    %get3A_934 = arith.constant 32000 : index
    %get3A_935 = vector.load %arg1[%get3A_934] : memref<100000xf32, #tpu.memory_space<vmem>>, vector<4000xf32>
    %broadcast_in_dim3A_936 = vector.shape_cast %get3A_935 : vector<4000xf32> to vector<1x4000xf32>
    %add3A_937 = arith.addf %get3A_933, %broadcast_in_dim3A_936 : vector<1x4000xf32>
    %sub3A_938 = vector.broadcast %add3A_817 : f32 to vector<1x4000xf32>
    %sub3A_939 = arith.subf %add3A_937, %sub3A_938 : vector<1x4000xf32>
    %swap3A_940 = arith.constant 0 : index
    %swap3A_941 = arith.constant 32000 : index
    %swap3A_942 = vector.load %arg2[%swap3A_940, %swap3A_941] : memref<1x100000xf32, #tpu.memory_space<vmem>>, vector<1x4000xf32>
    tpu.vector_store %arg2[%swap3A_940, %swap3A_941], %sub3A_939 {strides = array<i32>} : memref<1x100000xf32, #tpu.memory_space<vmem>>, vector<1x4000xf32>,
    %get3A_943 = arith.constant 9 : index
    %get3A_944 = arith.constant 0 : index
    %get3A_945 = arith.constant 0 : index
    %get3A_946 = vector.load %arg0[%get3A_943, %get3A_944, %get3A_945] : memref<25x1x4000xf32, #tpu.memory_space<vmem>>, vector<1x1x4000xf32>
    %get3A_947 = vector.shape_cast %get3A_946 : vector<1x1x4000xf32> to vector<1x4000xf32>
    %get3A_948 = arith.constant 36000 : index
    %get3A_949 = vector.load %arg1[%get3A_948] : memref<100000xf32, #tpu.memory_space<vmem>>, vector<4000xf32>
    %broadcast_in_dim3A_950 = vector.shape_cast %get3A_949 : vector<4000xf32> to vector<1x4000xf32>
    %add3A_951 = arith.addf %get3A_947, %broadcast_in_dim3A_950 : vector<1x4000xf32>
    %sub3A_952 = vector.broadcast %add3A_817 : f32 to vector<1x4000xf32>
    %sub3A_953 = arith.subf %add3A_951, %sub3A_952 : vector<1x4000xf32>
    %swap3A_954 = arith.constant 0 : index
    %swap3A_955 = arith.constant 36000 : index
    %swap3A_956 = vector.load %arg2[%swap3A_954, %swap3A_955] : memref<1x100000xf32, #tpu.memory_space<vmem>>, vector<1x4000xf32>
    tpu.vector_store %arg2[%swap3A_954, %swap3A_955], %sub3A_953 {strides = array<i32>} : memref<1x100000xf32, #tpu.memory_space<vmem>>, vector<1x4000xf32>,
    %get3A_957 = arith.constant 10 : index
    %get3A_958 = arith.constant 0 : index
    %get3A_959 = arith.constant 0 : index
    %get3A_960 = vector.load %arg0[%get3A_957, %get3A_958, %get3A_959] : memref<25x1x4000xf32, #tpu.memory_space<vmem>>, vector<1x1x4000xf32>
    %get3A_961 = vector.shape_cast %get3A_960 : vector<1x1x4000xf32> to vector<1x4000xf32>
    %get3A_962 = arith.constant 40000 : index
    %get3A_963 = vector.load %arg1[%get3A_962] : memref<100000xf32, #tpu.memory_space<vmem>>, vector<4000xf32>
    %broadcast_in_dim3A_964 = vector.shape_cast %get3A_963 : vector<4000xf32> to vector<1x4000xf32>
    %add3A_965 = arith.addf %get3A_961, %broadcast_in_dim3A_964 : vector<1x4000xf32>
    %sub3A_966 = vector.broadcast %add3A_817 : f32 to vector<1x4000xf32>
    %sub3A_967 = arith.subf %add3A_965, %sub3A_966 : vector<1x4000xf32>
    %swap3A_968 = arith.constant 0 : index
    %swap3A_969 = arith.constant 40000 : index
    %swap3A_970 = vector.load %arg2[%swap3A_968, %swap3A_969] : memref<1x100000xf32, #tpu.memory_space<vmem>>, vector<1x4000xf32>
    tpu.vector_store %arg2[%swap3A_968, %swap3A_969], %sub3A_967 {strides = array<i32>} : memref<1x100000xf32, #tpu.memory_space<vmem>>, vector<1x4000xf32>,
    %get3A_971 = arith.constant 11 : index
    %get3A_972 = arith.constant 0 : index
    %get3A_973 = arith.constant 0 : index
    %get3A_974 = vector.load %arg0[%get3A_971, %get3A_972, %get3A_973] : memref<25x1x4000xf32, #tpu.memory_space<vmem>>, vector<1x1x4000xf32>
    %get3A_975 = vector.shape_cast %get3A_974 : vector<1x1x4000xf32> to vector<1x4000xf32>
    %get3A_976 = arith.constant 44000 : index
    %get3A_977 = vector.load %arg1[%get3A_976] : memref<100000xf32, #tpu.memory_space<vmem>>, vector<4000xf32>
    %broadcast_in_dim3A_978 = vector.shape_cast %get3A_977 : vector<4000xf32> to vector<1x4000xf32>
    %add3A_979 = arith.addf %get3A_975, %broadcast_in_dim3A_978 : vector<1x4000xf32>
    %sub3A_980 = vector.broadcast %add3A_817 : f32 to vector<1x4000xf32>
    %sub3A_981 = arith.subf %add3A_979, %sub3A_980 : vector<1x4000xf32>
    %swap3A_982 = arith.constant 0 : index
    %swap3A_983 = arith.constant 44000 : index
    %swap3A_984 = vector.load %arg2[%swap3A_982, %swap3A_983] : memref<1x100000xf32, #tpu.memory_space<vmem>>, vector<1x4000xf32>
    tpu.vector_store %arg2[%swap3A_982, %swap3A_983], %sub3A_981 {strides = array<i32>} : memref<1x100000xf32, #tpu.memory_space<vmem>>, vector<1x4000xf32>,
    %get3A_985 = arith.constant 12 : index
    %get3A_986 = arith.constant 0 : index
    %get3A_987 = arith.constant 0 : index
    %get3A_988 = vector.load %arg0[%get3A_985, %get3A_986, %get3A_987] : memref<25x1x4000xf32, #tpu.memory_space<vmem>>, vector<1x1x4000xf32>
    %get3A_989 = vector.shape_cast %get3A_988 : vector<1x1x4000xf32> to vector<1x4000xf32>
    %get3A_990 = arith.constant 48000 : index
    %get3A_991 = vector.load %arg1[%get3A_990] : memref<100000xf32, #tpu.memory_space<vmem>>, vector<4000xf32>
    %broadcast_in_dim3A_992 = vector.shape_cast %get3A_991 : vector<4000xf32> to vector<1x4000xf32>
    %add3A_993 = arith.addf %get3A_989, %broadcast_in_dim3A_992 : vector<1x4000xf32>
    %sub3A_994 = vector.broadcast %add3A_817 : f32 to vector<1x4000xf32>
    %sub3A_995 = arith.subf %add3A_993, %sub3A_994 : vector<1x4000xf32>
    %swap3A_996 = arith.constant 0 : index
    %swap3A_997 = arith.constant 48000 : index
    %swap3A_998 = vector.load %arg2[%swap3A_996, %swap3A_997] : memref<1x100000xf32, #tpu.memory_space<vmem>>, vector<1x4000xf32>
    tpu.vector_store %arg2[%swap3A_996, %swap3A_997], %sub3A_995 {strides = array<i32>} : memref<1x100000xf32, #tpu.memory_space<vmem>>, vector<1x4000xf32>,
    %get3A_999 = arith.constant 13 : index
    %get3A_1000 = arith.constant 0 : index
    %get3A_1001 = arith.constant 0 : index
    %get3A_1002 = vector.load %arg0[%get3A_999, %get3A_1000, %get3A_1001] : memref<25x1x4000xf32, #tpu.memory_space<vmem>>, vector<1x1x4000xf32>
    %get3A_1003 = vector.shape_cast %get3A_1002 : vector<1x1x4000xf32> to vector<1x4000xf32>
    %get3A_1004 = arith.constant 52000 : index
    %get3A_1005 = vector.load %arg1[%get3A_1004] : memref<100000xf32, #tpu.memory_space<vmem>>, vector<4000xf32>
    %broadcast_in_dim3A_1006 = vector.shape_cast %get3A_1005 : vector<4000xf32> to vector<1x4000xf32>
    %add3A_1007 = arith.addf %get3A_1003, %broadcast_in_dim3A_1006 : vector<1x4000xf32>
    %sub3A_1008 = vector.broadcast %add3A_817 : f32 to vector<1x4000xf32>
    %sub3A_1009 = arith.subf %add3A_1007, %sub3A_1008 : vector<1x4000xf32>
    %swap3A_1010 = arith.constant 0 : index
    %swap3A_1011 = arith.constant 52000 : index
    %swap3A_1012 = vector.load %arg2[%swap3A_1010, %swap3A_1011] : memref<1x100000xf32, #tpu.memory_space<vmem>>, vector<1x4000xf32>
    tpu.vector_store %arg2[%swap3A_1010, %swap3A_1011], %sub3A_1009 {strides = array<i32>} : memref<1x100000xf32, #tpu.memory_space<vmem>>, vector<1x4000xf32>,
    %get3A_1013 = arith.constant 14 : index
    %get3A_1014 = arith.constant 0 : index
    %get3A_1015 = arith.constant 0 : index
    %get3A_1016 = vector.load %arg0[%get3A_1013, %get3A_1014, %get3A_1015] : memref<25x1x4000xf32, #tpu.memory_space<vmem>>, vector<1x1x4000xf32>
    %get3A_1017 = vector.shape_cast %get3A_1016 : vector<1x1x4000xf32> to vector<1x4000xf32>
    %get3A_1018 = arith.constant 56000 : index
    %get3A_1019 = vector.load %arg1[%get3A_1018] : memref<100000xf32, #tpu.memory_space<vmem>>, vector<4000xf32>
    %broadcast_in_dim3A_1020 = vector.shape_cast %get3A_1019 : vector<4000xf32> to vector<1x4000xf32>
    %add3A_1021 = arith.addf %get3A_1017, %broadcast_in_dim3A_1020 : vector<1x4000xf32>
    %sub3A_1022 = vector.broadcast %add3A_817 : f32 to vector<1x4000xf32>
    %sub3A_1023 = arith.subf %add3A_1021, %sub3A_1022 : vector<1x4000xf32>
    %swap3A_1024 = arith.constant 0 : index
    %swap3A_1025 = arith.constant 56000 : index
    %swap3A_1026 = vector.load %arg2[%swap3A_1024, %swap3A_1025] : memref<1x100000xf32, #tpu.memory_space<vmem>>, vector<1x4000xf32>
    tpu.vector_store %arg2[%swap3A_1024, %swap3A_1025], %sub3A_1023 {strides = array<i32>} : memref<1x100000xf32, #tpu.memory_space<vmem>>, vector<1x4000xf32>,
    %get3A_1027 = arith.constant 15 : index
    %get3A_1028 = arith.constant 0 : index
    %get3A_1029 = arith.constant 0 : index
    %get3A_1030 = vector.load %arg0[%get3A_1027, %get3A_1028, %get3A_1029] : memref<25x1x4000xf32, #tpu.memory_space<vmem>>, vector<1x1x4000xf32>
    %get3A_1031 = vector.shape_cast %get3A_1030 : vector<1x1x4000xf32> to vector<1x4000xf32>
    %get3A_1032 = arith.constant 60000 : index
    %get3A_1033 = vector.load %arg1[%get3A_1032] : memref<100000xf32, #tpu.memory_space<vmem>>, vector<4000xf32>
    %broadcast_in_dim3A_1034 = vector.shape_cast %get3A_1033 : vector<4000xf32> to vector<1x4000xf32>
    %add3A_1035 = arith.addf %get3A_1031, %broadcast_in_dim3A_1034 : vector<1x4000xf32>
    %sub3A_1036 = vector.broadcast %add3A_817 : f32 to vector<1x4000xf32>
    %sub3A_1037 = arith.subf %add3A_1035, %sub3A_1036 : vector<1x4000xf32>
    %swap3A_1038 = arith.constant 0 : index
    %swap3A_1039 = arith.constant 60000 : index
    %swap3A_1040 = vector.load %arg2[%swap3A_1038, %swap3A_1039] : memref<1x100000xf32, #tpu.memory_space<vmem>>, vector<1x4000xf32>
    tpu.vector_store %arg2[%swap3A_1038, %swap3A_1039], %sub3A_1037 {strides = array<i32>} : memref<1x100000xf32, #tpu.memory_space<vmem>>, vector<1x4000xf32>,
    %get3A_1041 = arith.constant 16 : index
    %get3A_1042 = arith.constant 0 : index
    %get3A_1043 = arith.constant 0 : index
    %get3A_1044 = vector.load %arg0[%get3A_1041, %get3A_1042, %get3A_1043] : memref<25x1x4000xf32, #tpu.memory_space<vmem>>, vector<1x1x4000xf32>
    %get3A_1045 = vector.shape_cast %get3A_1044 : vector<1x1x4000xf32> to vector<1x4000xf32>
    %get3A_1046 = arith.constant 64000 : index
    %get3A_1047 = vector.load %arg1[%get3A_1046] : memref<100000xf32, #tpu.memory_space<vmem>>, vector<4000xf32>
    %broadcast_in_dim3A_1048 = vector.shape_cast %get3A_1047 : vector<4000xf32> to vector<1x4000xf32>
    %add3A_1049 = arith.addf %get3A_1045, %broadcast_in_dim3A_1048 : vector<1x4000xf32>
    %sub3A_1050 = vector.broadcast %add3A_817 : f32 to vector<1x4000xf32>
    %sub3A_1051 = arith.subf %add3A_1049, %sub3A_1050 : vector<1x4000xf32>
    %swap3A_1052 = arith.constant 0 : index
    %swap3A_1053 = arith.constant 64000 : index
    %swap3A_1054 = vector.load %arg2[%swap3A_1052, %swap3A_1053] : memref<1x100000xf32, #tpu.memory_space<vmem>>, vector<1x4000xf32>
    tpu.vector_store %arg2[%swap3A_1052, %swap3A_1053], %sub3A_1051 {strides = array<i32>} : memref<1x100000xf32, #tpu.memory_space<vmem>>, vector<1x4000xf32>,
    %get3A_1055 = arith.constant 17 : index
    %get3A_1056 = arith.constant 0 : index
    %get3A_1057 = arith.constant 0 : index
    %get3A_1058 = vector.load %arg0[%get3A_1055, %get3A_1056, %get3A_1057] : memref<25x1x4000xf32, #tpu.memory_space<vmem>>, vector<1x1x4000xf32>
    %get3A_1059 = vector.shape_cast %get3A_1058 : vector<1x1x4000xf32> to vector<1x4000xf32>
    %get3A_1060 = arith.constant 68000 : index
    %get3A_1061 = vector.load %arg1[%get3A_1060] : memref<100000xf32, #tpu.memory_space<vmem>>, vector<4000xf32>
    %broadcast_in_dim3A_1062 = vector.shape_cast %get3A_1061 : vector<4000xf32> to vector<1x4000xf32>
    %add3A_1063 = arith.addf %get3A_1059, %broadcast_in_dim3A_1062 : vector<1x4000xf32>
    %sub3A_1064 = vector.broadcast %add3A_817 : f32 to vector<1x4000xf32>
    %sub3A_1065 = arith.subf %add3A_1063, %sub3A_1064 : vector<1x4000xf32>
    %swap3A_1066 = arith.constant 0 : index
    %swap3A_1067 = arith.constant 68000 : index
    %swap3A_1068 = vector.load %arg2[%swap3A_1066, %swap3A_1067] : memref<1x100000xf32, #tpu.memory_space<vmem>>, vector<1x4000xf32>
    tpu.vector_store %arg2[%swap3A_1066, %swap3A_1067], %sub3A_1065 {strides = array<i32>} : memref<1x100000xf32, #tpu.memory_space<vmem>>, vector<1x4000xf32>,
    %get3A_1069 = arith.constant 18 : index
    %get3A_1070 = arith.constant 0 : index
    %get3A_1071 = arith.constant 0 : index
    %get3A_1072 = vector.load %arg0[%get3A_1069, %get3A_1070, %get3A_1071] : memref<25x1x4000xf32, #tpu.memory_space<vmem>>, vector<1x1x4000xf32>
    %get3A_1073 = vector.shape_cast %get3A_1072 : vector<1x1x4000xf32> to vector<1x4000xf32>
    %get3A_1074 = arith.constant 72000 : index
    %get3A_1075 = vector.load %arg1[%get3A_1074] : memref<100000xf32, #tpu.memory_space<vmem>>, vector<4000xf32>
    %broadcast_in_dim3A_1076 = vector.shape_cast %get3A_1075 : vector<4000xf32> to vector<1x4000xf32>
    %add3A_1077 = arith.addf %get3A_1073, %broadcast_in_dim3A_1076 : vector<1x4000xf32>
    %sub3A_1078 = vector.broadcast %add3A_817 : f32 to vector<1x4000xf32>
    %sub3A_1079 = arith.subf %add3A_1077, %sub3A_1078 : vector<1x4000xf32>
    %swap3A_1080 = arith.constant 0 : index
    %swap3A_1081 = arith.constant 72000 : index
    %swap3A_1082 = vector.load %arg2[%swap3A_1080, %swap3A_1081] : memref<1x100000xf32, #tpu.memory_space<vmem>>, vector<1x4000xf32>
    tpu.vector_store %arg2[%swap3A_1080, %swap3A_1081], %sub3A_1079 {strides = array<i32>} : memref<1x100000xf32, #tpu.memory_space<vmem>>, vector<1x4000xf32>,
    %get3A_1083 = arith.constant 19 : index
    %get3A_1084 = arith.constant 0 : index
    %get3A_1085 = arith.constant 0 : index
    %get3A_1086 = vector.load %arg0[%get3A_1083, %get3A_1084, %get3A_1085] : memref<25x1x4000xf32, #tpu.memory_space<vmem>>, vector<1x1x4000xf32>
    %get3A_1087 = vector.shape_cast %get3A_1086 : vector<1x1x4000xf32> to vector<1x4000xf32>
    %get3A_1088 = arith.constant 76000 : index
    %get3A_1089 = vector.load %arg1[%get3A_1088] : memref<100000xf32, #tpu.memory_space<vmem>>, vector<4000xf32>
    %broadcast_in_dim3A_1090 = vector.shape_cast %get3A_1089 : vector<4000xf32> to vector<1x4000xf32>
    %add3A_1091 = arith.addf %get3A_1087, %broadcast_in_dim3A_1090 : vector<1x4000xf32>
    %sub3A_1092 = vector.broadcast %add3A_817 : f32 to vector<1x4000xf32>
    %sub3A_1093 = arith.subf %add3A_1091, %sub3A_1092 : vector<1x4000xf32>
    %swap3A_1094 = arith.constant 0 : index
    %swap3A_1095 = arith.constant 76000 : index
    %swap3A_1096 = vector.load %arg2[%swap3A_1094, %swap3A_1095] : memref<1x100000xf32, #tpu.memory_space<vmem>>, vector<1x4000xf32>
    tpu.vector_store %arg2[%swap3A_1094, %swap3A_1095], %sub3A_1093 {strides = array<i32>} : memref<1x100000xf32, #tpu.memory_space<vmem>>, vector<1x4000xf32>,
    %get3A_1097 = arith.constant 20 : index
    %get3A_1098 = arith.constant 0 : index
    %get3A_1099 = arith.constant 0 : index
    %get3A_1100 = vector.load %arg0[%get3A_1097, %get3A_1098, %get3A_1099] : memref<25x1x4000xf32, #tpu.memory_space<vmem>>, vector<1x1x4000xf32>
    %get3A_1101 = vector.shape_cast %get3A_1100 : vector<1x1x4000xf32> to vector<1x4000xf32>
    %get3A_1102 = arith.constant 80000 : index
    %get3A_1103 = vector.load %arg1[%get3A_1102] : memref<100000xf32, #tpu.memory_space<vmem>>, vector<4000xf32>
    %broadcast_in_dim3A_1104 = vector.shape_cast %get3A_1103 : vector<4000xf32> to vector<1x4000xf32>
    %add3A_1105 = arith.addf %get3A_1101, %broadcast_in_dim3A_1104 : vector<1x4000xf32>
    %sub3A_1106 = vector.broadcast %add3A_817 : f32 to vector<1x4000xf32>
    %sub3A_1107 = arith.subf %add3A_1105, %sub3A_1106 : vector<1x4000xf32>
    %swap3A_1108 = arith.constant 0 : index
    %swap3A_1109 = arith.constant 80000 : index
    %swap3A_1110 = vector.load %arg2[%swap3A_1108, %swap3A_1109] : memref<1x100000xf32, #tpu.memory_space<vmem>>, vector<1x4000xf32>
    tpu.vector_store %arg2[%swap3A_1108, %swap3A_1109], %sub3A_1107 {strides = array<i32>} : memref<1x100000xf32, #tpu.memory_space<vmem>>, vector<1x4000xf32>,
    %get3A_1111 = arith.constant 21 : index
    %get3A_1112 = arith.constant 0 : index
    %get3A_1113 = arith.constant 0 : index
    %get3A_1114 = vector.load %arg0[%get3A_1111, %get3A_1112, %get3A_1113] : memref<25x1x4000xf32, #tpu.memory_space<vmem>>, vector<1x1x4000xf32>
    %get3A_1115 = vector.shape_cast %get3A_1114 : vector<1x1x4000xf32> to vector<1x4000xf32>
    %get3A_1116 = arith.constant 84000 : index
    %get3A_1117 = vector.load %arg1[%get3A_1116] : memref<100000xf32, #tpu.memory_space<vmem>>, vector<4000xf32>
    %broadcast_in_dim3A_1118 = vector.shape_cast %get3A_1117 : vector<4000xf32> to vector<1x4000xf32>
    %add3A_1119 = arith.addf %get3A_1115, %broadcast_in_dim3A_1118 : vector<1x4000xf32>
    %sub3A_1120 = vector.broadcast %add3A_817 : f32 to vector<1x4000xf32>
    %sub3A_1121 = arith.subf %add3A_1119, %sub3A_1120 : vector<1x4000xf32>
    %swap3A_1122 = arith.constant 0 : index
    %swap3A_1123 = arith.constant 84000 : index
    %swap3A_1124 = vector.load %arg2[%swap3A_1122, %swap3A_1123] : memref<1x100000xf32, #tpu.memory_space<vmem>>, vector<1x4000xf32>
    tpu.vector_store %arg2[%swap3A_1122, %swap3A_1123], %sub3A_1121 {strides = array<i32>} : memref<1x100000xf32, #tpu.memory_space<vmem>>, vector<1x4000xf32>,
    %get3A_1125 = arith.constant 22 : index
    %get3A_1126 = arith.constant 0 : index
    %get3A_1127 = arith.constant 0 : index
    %get3A_1128 = vector.load %arg0[%get3A_1125, %get3A_1126, %get3A_1127] : memref<25x1x4000xf32, #tpu.memory_space<vmem>>, vector<1x1x4000xf32>
    %get3A_1129 = vector.shape_cast %get3A_1128 : vector<1x1x4000xf32> to vector<1x4000xf32>
    %get3A_1130 = arith.constant 88000 : index
    %get3A_1131 = vector.load %arg1[%get3A_1130] : memref<100000xf32, #tpu.memory_space<vmem>>, vector<4000xf32>
    %broadcast_in_dim3A_1132 = vector.shape_cast %get3A_1131 : vector<4000xf32> to vector<1x4000xf32>
    %add3A_1133 = arith.addf %get3A_1129, %broadcast_in_dim3A_1132 : vector<1x4000xf32>
    %sub3A_1134 = vector.broadcast %add3A_817 : f32 to vector<1x4000xf32>
    %sub3A_1135 = arith.subf %add3A_1133, %sub3A_1134 : vector<1x4000xf32>
    %swap3A_1136 = arith.constant 0 : index
    %swap3A_1137 = arith.constant 88000 : index
    %swap3A_1138 = vector.load %arg2[%swap3A_1136, %swap3A_1137] : memref<1x100000xf32, #tpu.memory_space<vmem>>, vector<1x4000xf32>
    tpu.vector_store %arg2[%swap3A_1136, %swap3A_1137], %sub3A_1135 {strides = array<i32>} : memref<1x100000xf32, #tpu.memory_space<vmem>>, vector<1x4000xf32>,
    %get3A_1139 = arith.constant 23 : index
    %get3A_1140 = arith.constant 0 : index
    %get3A_1141 = arith.constant 0 : index
    %get3A_1142 = vector.load %arg0[%get3A_1139, %get3A_1140, %get3A_1141] : memref<25x1x4000xf32, #tpu.memory_space<vmem>>, vector<1x1x4000xf32>
    %get3A_1143 = vector.shape_cast %get3A_1142 : vector<1x1x4000xf32> to vector<1x4000xf32>
    %get3A_1144 = arith.constant 92000 : index
    %get3A_1145 = vector.load %arg1[%get3A_1144] : memref<100000xf32, #tpu.memory_space<vmem>>, vector<4000xf32>
    %broadcast_in_dim3A_1146 = vector.shape_cast %get3A_1145 : vector<4000xf32> to vector<1x4000xf32>
    %add3A_1147 = arith.addf %get3A_1143, %broadcast_in_dim3A_1146 : vector<1x4000xf32>
    %sub3A_1148 = vector.broadcast %add3A_817 : f32 to vector<1x4000xf32>
    %sub3A_1149 = arith.subf %add3A_1147, %sub3A_1148 : vector<1x4000xf32>
    %swap3A_1150 = arith.constant 0 : index
    %swap3A_1151 = arith.constant 92000 : index
    %swap3A_1152 = vector.load %arg2[%swap3A_1150, %swap3A_1151] : memref<1x100000xf32, #tpu.memory_space<vmem>>, vector<1x4000xf32>
    tpu.vector_store %arg2[%swap3A_1150, %swap3A_1151], %sub3A_1149 {strides = array<i32>} : memref<1x100000xf32, #tpu.memory_space<vmem>>, vector<1x4000xf32>,
    %get3A_1153 = arith.constant 24 : index
    %get3A_1154 = arith.constant 0 : index
    %get3A_1155 = arith.constant 0 : index
    %get3A_1156 = vector.load %arg0[%get3A_1153, %get3A_1154, %get3A_1155] : memref<25x1x4000xf32, #tpu.memory_space<vmem>>, vector<1x1x4000xf32>
    %get3A_1157 = vector.shape_cast %get3A_1156 : vector<1x1x4000xf32> to vector<1x4000xf32>
    %get3A_1158 = arith.constant 96000 : index
    %get3A_1159 = vector.load %arg1[%get3A_1158] : memref<100000xf32, #tpu.memory_space<vmem>>, vector<4000xf32>
    %broadcast_in_dim3A_1160 = vector.shape_cast %get3A_1159 : vector<4000xf32> to vector<1x4000xf32>
    %add3A_1161 = arith.addf %get3A_1157, %broadcast_in_dim3A_1160 : vector<1x4000xf32>
    %sub3A_1162 = vector.broadcast %add3A_817 : f32 to vector<1x4000xf32>
    %sub3A_1163 = arith.subf %add3A_1161, %sub3A_1162 : vector<1x4000xf32>
    %swap3A_1164 = arith.constant 0 : index
    %swap3A_1165 = arith.constant 96000 : index
    %swap3A_1166 = vector.load %arg2[%swap3A_1164, %swap3A_1165] : memref<1x100000xf32, #tpu.memory_space<vmem>>, vector<1x4000xf32>
    tpu.vector_store %arg2[%swap3A_1164, %swap3A_1165], %sub3A_1163 {strides = array<i32>} : memref<1x100000xf32, #tpu.memory_space<vmem>>, vector<1x4000xf32>,
    return
  }
}

</mosaic_0001>

<sc_bundles>
// kernel: kernel.5.cloned.1.call-start
scs
__scs_entry_jumppad:
0x0: {  	(pc) =	sbr.rel $0x88, $3  }
0x1: {  	(tag) =	ssettag $0x0;
	lr =	simm.s32 $0x1  }
0x2: {  	[smem:$0x3F9B] =	sst lr;
	_ =	strace $0xD0000000  }
0x3: {  	_ = 	snop  }
0x4: {  	_ = 	snop  }
0x5: {  	_ = 	snop  }
0x6: {  	_ = 	snop  }
0x7: {  	_ = 	snop  }
__scs_overlays_trampoline_lowered:
0x8: {  	[smem:$0x3FAA] =	sst s0  }
0x9: {  	[smem:$0x3FAB] =	sst s1  }
0xa: {  	[smem:$0x3FAC] =	sst s2  }
0xb: {  	[smem:$0x3FAD] =	sst s3  }
0xc: {  	[smem:$0x3FAE] =	sst s4  }
0xd: {  	[smem:$0x3FAF] =	sst s5  }
0xe: {  	[smem:$0x3FB0] =	sst s6  }
0xf: {  	[smem:$0x3FB1] =	sst s7  }
0x10: {  	[smem:$0x3FB2] =	sst s8  }
0x11: {  	[smem:$0x3FB3] =	sst s9;
	s0 =	simm.s32 @!p0 $0x0  }
0x12: {  	s1 =	sld [smem:$0x3F99];
	s0 =	simm.s32 @p0 $0x1  }
0x13: {  	[smem:$0x3FB4] =	sst s0;
	s0 =	simm.s32 @!p1 $0x0  }
0x14: {  	s2 =	sld [smem:$0x3F98];
	s0 =	simm.s32 @p1 $0x1  }
0x15: {  	[smem:$0x3FB5] =	sst s0;
	s0 =	simm.s32 @!p2 $0x0  }
0x16: {  	s3 =	sld [smem:$0x3FDB];
	s0 =	simm.s32 @p2 $0x1  }
0x17: {  	s4 =	simm.s32 $0x1BF5;
	[smem:$0x3FB7] =	sst s0  }
0x18: {  	s0 =	sld [smem:$0x3F9A];
	_ =	swait.ge [sflag:s4], $0x0  }
0x19: {  	s7 =	sld [smem:$0x3F9B]  }
0x1a: {  	s8 =	sadd.s32 $0xFFFFE003, lr  }
0x1b: {  	s9 =	sadd.s32 $0xFFFFFEF7, lr;
	s5 =	simm.s32 $0xFFFFFFFF;
	p2 =	slt.u32 s8, $0xFFFFF086  }
0x1c: {  	p1 =	slt.u32 s9, $0xF7A;
	s5 =	simm.s32 @!p2 $0x0  }
0x1d: {  	s5 =	simm.s32 @p1 $0x1;
	p0 =	seq.s32 s7, s2  }
0x1e: {  	s7 =	smul.u32 @!p0 $0xF7A, s2;
	p2 =	seq.s32 @!p0 s5, $0x0  }
0x1f: {  	s9 =	smul.u32 $0xF7A, s1;
	s8 =	simm.s32 @!p0 $0x1BF5;
	p2 =	por !p2, p0  }
0x20: {  	[sflag:s8] =	ssyncset.s32 @!p0 $0xFFFFF086;
	s6 =	sadd.s32 @!p0 s3, s7;
	s7 =	simm.s32 @!p0 $0x108  }
0x21: {  	s3 =	sadd.s32 s3, s9;
	s6 =	sadd.s32 @!p0 $0x88, s6;
	s7 =	simm.s32 @p2 $0x1082  }
0x22: {  	[simem:s7], [sflag:s8] =	dma.local @!p0 [hbm:s6], $0xF7A  }
0x23: {  	s9 =	sor.u32 $0xD0000000, s2;
	s6 =	simm.s32 $0x108;
	_ =	swait.ge @!p0 [sflag:s8], $0x0  }
0x24: {  	s3 =	sadd.s32 $0x88, s3;
	s6 =	simm.s32 @!p1 $0x1082;
	[sflag:s4] =	ssyncset.s32 $0xFFFFF086  }
0x25: {  	[simem:s6], [sflag:s4] =	dma.local [hbm:s3], $0xF7A  }
0x26: {  	[smem:$0x3F9B] =	sst s1;
	(tag) =	ssettag s2;
	_ =	strace s9  }
0x27: {  	s1 =	sld [smem:$0x3FAB]  }
0x28: {  	s2 =	sld [smem:$0x3FAC]  }
0x29: {  	s4 =	sld [smem:$0x3FAE]  }
0x2a: {  	p0 =	seq.s32 s5, $0x0;
	s5 =	sld [smem:$0x3FAF]  }
0x2b: {  	s6 =	sld [smem:$0x3FB0]  }
0x2c: {  	s7 =	sld [smem:$0x3FB1]  }
0x2d: {  	s3 =	simm.s32 $0x108;
	s8 =	sld [smem:$0x3FB2]  }
0x2e: {  	s3 =	simm.s32 @!p0 $0x1082;
	s9 =	sld [smem:$0x3FB3]  }
0x2f: {  	lr =	sadd.s32 s0, s3;
	s0 =	sld [smem:$0x3FAA]  }
0x30: {  	s3 =	sld [smem:$0x3FAD]  }
0x31: {  	[smem:$0x3FB6] =	sst s10  }
0x32: {  	s10 =	sld [smem:$0x3FB4];
	_ =	sdelay $0x3  }
0x33: {  	p0 =	seq.s32 s10, $0x1;
	s10 =	sld [smem:$0x3FB6];
	_ =	sdelay $0x3  }
0x34: {  	[smem:$0x3FB6] =	sst s10  }
0x35: {  	s10 =	sld [smem:$0x3FB5];
	_ =	sdelay $0x3  }
0x36: {  	p1 =	seq.s32 s10, $0x1;
	s10 =	sld [smem:$0x3FB6];
	_ =	sdelay $0x3  }
0x37: {  	[smem:$0x3FB6] =	sst s10  }
0x38: {  	s10 =	sld [smem:$0x3FB7]  }
0x39: {  	_ = 	snop;
	(pc) =	sbr.ind lr, $3  }
0x3a: {  	_ = 	snop  }
0x3b: {  	_ = 	snop  }
0x3c: {  	p2 =	seq.s32 s10, $0x1;
	s10 =	sld [smem:$0x3FB6]  }
0x3d: {  	_ =	shalt  }
0x3e: {  	_ =	shalt  }
0x3f: {  	_ =	shalt  }
0x40: {  	_ =	shalt  }
0x41: {  	_ =	shalt  }
0x42: {  	_ =	shalt  }
0x43: {  	_ =	shalt  }
0x44: {  	_ =	shalt  }
0x45: {  	_ =	shalt  }
0x46: {  	_ =	shalt  }
0x47: {  	_ =	shalt  }
0x48: {  	_ =	shalt  }
0x49: {  	_ =	shalt  }
0x4a: {  	_ =	shalt  }
0x4b: {  	_ =	shalt  }
0x4c: {  	_ =	shalt  }
0x4d: {  	_ =	shalt  }
0x4e: {  	_ =	shalt  }
0x4f: {  	_ =	shalt  }
0x50: {  	_ =	shalt  }
0x51: {  	_ =	shalt  }
0x52: {  	_ =	shalt  }
0x53: {  	_ =	shalt  }
0x54: {  	_ =	shalt  }
0x55: {  	_ =	shalt  }
0x56: {  	_ =	shalt  }
0x57: {  	_ =	shalt  }
0x58: {  	_ =	shalt  }
0x59: {  	_ =	shalt  }
0x5a: {  	_ =	shalt  }
0x5b: {  	_ =	shalt  }
0x5c: {  	_ =	shalt  }
0x5d: {  	_ =	shalt  }
0x5e: {  	_ =	shalt  }
0x5f: {  	_ =	shalt  }
0x60: {  	_ =	shalt  }
0x61: {  	_ =	shalt  }
0x62: {  	_ =	shalt  }
0x63: {  	_ =	shalt  }
0x64: {  	_ =	shalt  }
0x65: {  	_ =	shalt  }
0x66: {  	_ =	shalt  }
0x67: {  	_ =	shalt  }
0x68: {  	_ =	shalt  }
0x69: {  	_ =	shalt  }
0x6a: {  	_ =	shalt  }
0x6b: {  	_ =	shalt  }
0x6c: {  	_ =	shalt  }
0x6d: {  	_ =	shalt  }
0x6e: {  	_ =	shalt  }
0x6f: {  	_ =	shalt  }
0x70: {  	_ =	shalt  }
0x71: {  	_ =	shalt  }
0x72: {  	_ =	shalt  }
0x73: {  	_ =	shalt  }
0x74: {  	_ =	shalt  }
0x75: {  	_ =	shalt  }
0x76: {  	_ =	shalt  }
0x77: {  	_ =	shalt  }
0x78: {  	_ =	shalt  }
0x79: {  	_ =	shalt  }
0x7a: {  	_ =	shalt  }
0x7b: {  	_ =	shalt  }
0x7c: {  	_ =	shalt  }
0x7d: {  	_ =	shalt  }
0x7e: {  	_ =	shalt  }
0x7f: {  	_ =	shalt  }
0x80: {  	_ =	shalt  }
0x81: {  	_ =	shalt  }
0x82: {  	_ =	shalt  }
0x83: {  	_ =	shalt  }
0x84: {  	_ =	shalt  }
0x85: {  	_ =	shalt  }
0x86: {  	_ =	shalt  }
0x87: {  	_ =	shalt  }
.Lfunc_end0:
.L_simem_size_0:
called_computation_lowered:
.L_overlay_start_0:
0x88: {  	s2 =	sld [smem:$0x3FD9]  }
0x89: {  	s3 =	sld [smem:$0x3FFE];
	_ =	sdelay $0x1  }
0x8a: {  	s1 =	srdreg.scid  }
0x8b: {  	s0 =	sand.u32 $0x1, s1  }
0x8c: {  	s18 =	sshll.u32 s0, $0xA;
	s2 =	sadd.s32 s3, s2  }
0x8d: {  	s2 =	sadd.s32 s2, s18  }
0x8e: {  	[smem:$0x3FC2] =	sst s2  }
0x8f: {  	_ = 	snop  }
0x90: {  	s2 =	sld [smem:$0x3FC9]  }
0x91: {  	s19 =	sld [smem:$0x3FC8]  }
0x92: {  	s4 =	sld [smem:$0x3FD0];
	(tm) =	ssettm $0x1  }
0x93: {  	s5 =	sld [smem:$0x3FFB];
	_ =	sdelay $0x3  }
0x94: {  	_ =	strace s5  }
0x95: {  	s5 =	sld [smem:$0x3FFC];
	_ =	sdelay $0x3  }
0x96: {  	_ =	strace s5  }
0x97: {  	s5 =	sld [smem:$0x3FFD];
	_ =	sdelay $0x3  }
0x98: {  	_ =	strace s5  }
0x99: {  	_ =	strace $0x8FFFFFFF  }
0x9a: {  	s20 =	sld [smem:$0x3FDB];
	_ =	sdelay $0x1  }
0x9b: {  	s6 =	simm.s32 $_scs_section_size  }
0x9c: {  	s7 =	simm.s32 $_size__tile_overlayer_lowered;
	s8 =	simm.s32 $_tile_overlayer_lowered  }
0x9d: {  	s23 =	simm.s32 $0x1BFF;
	s22 =	sshll.u32 s8, $0x1;
	s5 =	sadd.s32 s6, s20  }
0x9e: {  	s9 =	simm.s32 $0x0;
	s21 =	sshll.u32 s7, $0x1;
	s7 =	sadd.s32 s22, s5  }
0x9f: {  	[timem:s9], [sflag:s23] =	dma.local [hbm:s7], s21  }
0xa0: {  	_ =	swait.ge [sflag:s23], s21  }
0xa1: {  	s6 =	ssub.s32 $0x0, s21;
	[sflag:s23] =	ssyncset.done $0x0  }
0xa2: {  	[sflag:s23] =	ssyncadd.s32 s6;
	_ =	sdelay $0x1  }
0xa3: {  	s24 =	simm.s32 $0x1B8B  }
0xa4: {  	_ =	swait.ge [sflag:s24], $0x1  }
0xa5: {  	[sflag:s24] =	ssyncset.done $0x0  }
0xa6: {  	s25 =	simm.s32 $0x1B8E;
	[sflag:s24] =	ssyncadd.s32 $0xFFFFFFFF  }
0xa7: {  	s26 =	simm.s32 $execute0_lowered;
	[smem:$0x3FD2] =	sst s25  }
0xa8: {  	s6 =	sshll.u32 s26, $0x1;
	_ =	strace $0x80000046;
	[dreg:$0x1] =	wrdreg $0xFFFFFFFF  }
0xa9: {  	s28 =	simm.s32 $_size_execute0_lowered;
	s5 =	sadd.s32 s5, s6;
	[dreg:$0x0] =	wrdreg $0x0  }
0xaa: {  	s6 =	sshll.u32 s28, $0x1;
	[dreg:$0x2] =	wrdreg s5  }
0xab: {  	[dreg:$0x3] =	wrdreg s6  }
0xac: {  	[dreg:$0x4] =	wrdreg $0xC0  }
0xad: {  	_ =	task [dreg:s9], $0x5FFFF  }
0xae: {  	[dreg:$0x1] =	wrdreg $0xFFFFFFFF  }
0xaf: {  	[dreg:$0x0] =	wrdreg $0x60  }
0xb0: {  	[dreg:$0x2] =	wrdreg s2  }
0xb1: {  	[dreg:$0x3] =	wrdreg s19  }
0xb2: {  	[dreg:$0x4] =	wrdreg s4  }
0xb3: {  	[dreg:$0x5] =	wrdreg $0x9  }
0xb4: {  	_ =	task.clear_ibuf [dreg:s9], $0x6FFFF;
	_ =	strace $0x90000046  }
0xb5: {  	s29 =	simm.s32 $0x9;
	_ =	strace $0x80000048  }
0xb6: {  	_ =	swait.ge [sflag:s29], $0x1  }
0xb7: {  	[sflag:s29] =	ssyncadd.s32 $0xFFFFFFFF  }
0xb8: {  	_ =	strace $0x90000048  }
0xb9: {  	_ =	sfence  }
0xba: {  	s30 =	sld [smem:$0x0];
	_ =	sdelay $0x2  }
0xbb: {  	s31 =	sshll.u32 s1, $0xD;
	s1 =	sshrl.u32 s1, $0x2  }
0xbc: {  	s3 =	sand.u32 $0x4000, s31;
	s1 =	sadd.s32 s1, s30  }
0xbd: {  	s0 =	sor.u32 s3, s0;
	s1 =	sshll.u32 s1, $0x11  }
0xbe: {  	s0 =	sor.u32 s1, s0  }
0xbf: {  	s0 =	sadd.s32 $0x8F2B, s0  }
0xc0: {  	[sflag:s0] =	ssyncadd.remote.s32 $0x1  }
0xc1: {  	_ =	sfence.sel $0xFFFF  }
0xc2: {  	[dreg:$0x0] =	wrdreg $0xFFFFFFFF;
	(pc) =	sbr.abs _section_cstart, $3  }
0xc3: {  	[dreg:$0x1] =	wrdreg $0xFFFFFFFF  }
0xc4: {  	_ =	task.clear_ibuf [dreg:s9], $0x2FFFF;
	_ =	strace $0x9FFFFFFF  }
0xc5: {  	(tm) =	ssettm $0x7FFFFFFF  }
tec
execute0_lowered:
.L_overlay_start_1:
0x0: {  	(tag) =	ssettag $0x1  }
0x1: {  	s4 =	rddreg [dreg:$0x0]  }
0x2: {  	s2 =	rddreg [dreg:$0x1]  }
0x3: {  	s5 =	rddreg [dreg:$0x2]  }
0x4: {  	s3 =	srdreg.scid;
	s0 =	rddreg [dreg:$0x3]  }
0x5: {  	s1 =	stileid.u32;
	s10 =	simm.s32 $0x1;
	s11 =	simm.s32 $0x480  }
0x6: {  	s6 =	sand.u32 $0x1, s3;
	s3 =	simm.s32 $0x0;
	s8 =	sshll.u32 s1, $0x1  }
.Ltmp0:
0x7: {  	s7 =	ssub.s32 $0x2, s6;
	[smem:$0x7FF] =	sst s3;
	(pc) =	sbr.rel .LBB2_1-.Ltmp0, $4  }
0x8: {  	s8 =	sor.u32 s6, s8;
	s9 =	sshrl.u32 s7, $0x1;
	_ =	strace $0x80000047  }
0x9: {  	s31 =	sshll.u32 s8, $0x4;
	s4 =	sadd.s32 s4, s8;
	p0 =	sgt.u32 s8, $0x18  }
0xa: {  	s8 =	simm.s32 $0x8;
	s30 =	ssub.s32 s7, s9;
	s5 =	sadd.s32 s5, s31  }
0xb: {  	v0 =	vimm.f32 $0.0e+00;
	s7 =	simm.s32 $0x2;
	s9 =	simm.s32 $0x80;
	s6 =	smax.u32 s30, $0x1  }
.LBB2_3:
0xc: {  	s6 =	sadd.s32 $0xFFFFFFFF, s6  }
0xd: {  	p1 =	sne.s32 s6, $0x0  }
.Ltmp1:
0xe: {  	_ = 	snop;
	(pc) =	sbr.rel @!p1 .LBB2_4-.Ltmp1, $4  }
0xf: {  	[hbm4b:s5+s3] =	stream.linear.scatter [tilespmem:s11], [sflag:$0x2], $0x80, $0x38;
	[tilespmem:$0x500] =	vst v63  }
0x10: {  	_ =	swait.ge [sflag:s7], $0x80  }
0x11: {  	[sflag:s7] =	ssyncset.done $0x0  }
0x12: {  	[sflag:s7] =	ssyncadd.s32 $0xFFFFFF80  }
.LBB2_1:
0x13: {  	[tilespmem:$0x480] =	vst v0  }
0x14: {  	[tilespmem:$0x490] =	vst v0  }
0x15: {  	[tilespmem:$0x4A0] =	vst v0  }
.Ltmp2:
0x16: {  	[tilespmem:$0x4B0] =	vst v0;
	(pc) =	sbr.rel @p0 .LBB2_3-.Ltmp2, $4  }
0x17: {  	[tilespmem:$0x4C0] =	vst v0  }
0x18: {  	[tilespmem:$0x4D0] =	vst v0  }
0x19: {  	[tilespmem:$0x4E0] =	vst v0  }
0x1a: {  	[tilespmem:$0x4F0] =	vst v0  }
0x1b: {  	[tilespmem:s3], [sflag:$0x2] =	stream.linear.gather [hbm4b:s4+s3], $0x8, $0x38;
	[tilespmem:$0x500] =	vst v63  }
0x1c: {  	_ =	swait.ge [sflag:s7], $0x8  }
0x1d: {  	[sflag:s7] =	ssyncset.done $0x0  }
0x1e: {  	[sflag:s7] =	ssyncadd.s32 $0xFFFFFFF8  }
0x1f: {  	[tilespmem:s9], [sflag:$0x1] =	stream.indirect.gather [hbm4b:s2+s8], $0x80, s3, s8, $0xb8;
	[tilespmem:$0x500] =	vst v63  }
0x20: {  	_ =	swait.ge [sflag:s10], $0x400  }
0x21: {  	[sflag:s10] =	ssyncset.done $0x0  }
0x22: {  	[sflag:s10] =	ssyncadd.s32 $0xFFFFFC00  }
0x23: {  	v1 =	vld [tilespmem:$0x80]  }
0x24: {  	v2 =	vld [tilespmem:$0x100]  }
0x25: {  	v3 =	vld [tilespmem:$0x180]  }
0x26: {  	v4 =	vld [tilespmem:$0x200]  }
0x27: {  	v5 =	vld [tilespmem:$0x280]  }
0x28: {  	v6 =	vld [tilespmem:$0x300]  }
0x29: {  	v7 =	vld [tilespmem:$0x380]  }
0x2a: {  	v8 =	vld [tilespmem:$0x400]  }
0x2b: {  	v9 =	vld [tilespmem:$0x90]  }
0x2c: {  	v10 =	vld [tilespmem:$0x110]  }
0x2d: {  	v11 =	vld [tilespmem:$0x190]  }
0x2e: {  	v12 =	vld [tilespmem:$0x210]  }
0x2f: {  	v13 =	vld [tilespmem:$0x290]  }
0x30: {  	v14 =	vld [tilespmem:$0x310]  }
0x31: {  	v15 =	vld [tilespmem:$0x390]  }
0x32: {  	v16 =	vld [tilespmem:$0x410]  }
0x33: {  	v17 =	vld [tilespmem:$0xA0]  }
0x34: {  	v18 =	vld [tilespmem:$0x120]  }
0x35: {  	v19 =	vld [tilespmem:$0x1A0]  }
0x36: {  	v20 =	vld [tilespmem:$0x220]  }
0x37: {  	v21 =	vld [tilespmem:$0x2A0]  }
0x38: {  	v22 =	vld [tilespmem:$0x320]  }
0x39: {  	v23 =	vld [tilespmem:$0x3A0]  }
0x3a: {  	v24 =	vld [tilespmem:$0x420]  }
0x3b: {  	v25 =	vld [tilespmem:$0xB0]  }
0x3c: {  	v26 =	vld [tilespmem:$0x130]  }
0x3d: {  	v27 =	vld [tilespmem:$0x1B0]  }
0x3e: {  	v28 =	vld [tilespmem:$0x230]  }
0x3f: {  	v29 =	vld [tilespmem:$0x2B0]  }
0x40: {  	v30 =	vld [tilespmem:$0x330]  }
0x41: {  	v31 =	vld [tilespmem:$0x3B0]  }
0x42: {  	v32 =	vld [tilespmem:$0x430]  }
0x43: {  	v33 =	vld [tilespmem:$0xC0]  }
0x44: {  	v34 =	vld [tilespmem:$0x140]  }
0x45: {  	v35 =	vld [tilespmem:$0x1C0]  }
0x46: {  	v36 =	vld [tilespmem:$0x240]  }
0x47: {  	v61 =	vld [tilespmem:$0xD0]  }
0x48: {  	v62 =	vld [tilespmem:$0x150]  }
0x49: {  	v37 =	vld [tilespmem:$0x2C0]  }
0x4a: {  	v38 =	vld [tilespmem:$0x340]  }
0x4b: {  	v39 =	vld [tilespmem:$0x3C0];
	v1 =	vadd.f32 v2, v1;
	v9 =	vadd.f32 v10, v9  }
0x4c: {  	v40 =	vld [tilespmem:$0x350];
	v63 =	vadd.f32 v26, v25;
	v48 =	vadd.f32 v34, v33  }
0x4d: {  	v25 =	vld [tilespmem:$0x1D0];
	v10 =	vadd.f32 v62, v61;
	v1 =	vadd.f32 v3, v1  }
0x4e: {  	v41 =	vld [tilespmem:$0x3D0];
	v3 =	vadd.f32 v18, v17;
	v9 =	vadd.f32 v11, v9  }
0x4f: {  	v42 =	vld [tilespmem:$0x450];
	v11 =	vadd.f32 v27, v63;
	v1 =	vadd.f32 v4, v1  }
0x50: {  	v26 =	vld [tilespmem:$0x250];
	v3 =	vadd.f32 v19, v3;
	v9 =	vadd.f32 v12, v9  }
0x51: {  	v43 =	vld [tilespmem:$0xE0];
	v11 =	vadd.f32 v28, v11;
	v19 =	vadd.f32 v35, v48  }
0x52: {  	v44 =	vld [tilespmem:$0x160];
	v10 =	vadd.f32 v25, v10;
	v1 =	vadd.f32 v5, v1  }
0x53: {  	v27 =	vld [tilespmem:$0x2D0];
	v3 =	vadd.f32 v20, v3;
	v9 =	vadd.f32 v13, v9  }
0x54: {  	v45 =	vld [tilespmem:$0xF0];
	v11 =	vadd.f32 v29, v11;
	v53 =	vadd.f32 v36, v19  }
0x55: {  	v46 =	vld [tilespmem:$0x170];
	v4 =	vadd.f32 v26, v10;
	v1 =	vadd.f32 v6, v1  }
0x56: {  	v47 =	vld [tilespmem:$0x1E0];
	v3 =	vadd.f32 v21, v3;
	v9 =	vadd.f32 v14, v9  }
0x57: {  	v49 =	vld [tilespmem:$0x1F0];
	v11 =	vadd.f32 v30, v11;
	v18 =	vadd.f32 v37, v53  }
0x58: {  	v50 =	vld [tilespmem:$0x260];
	v4 =	vadd.f32 v27, v4;
	v1 =	vadd.f32 v7, v1  }
0x59: {  	v51 =	vld [tilespmem:$0x270];
	v3 =	vadd.f32 v22, v3;
	v9 =	vadd.f32 v15, v9  }
0x5a: {  	v52 =	vld [tilespmem:$0x2E0];
	v11 =	vadd.f32 v31, v11;
	v7 =	vadd.f32 v44, v43  }
0x5b: {  	v54 =	vld [tilespmem:$0x2F0];
	v1 =	vadd.f32 v8, v1;
	v8 =	vadd.f32 v46, v45  }
0x5c: {  	v55 =	vld [tilespmem:$0x360];
	v58 =	vadd.f32 v38, v18;
	v7 =	vadd.f32 v47, v7  }
0x5d: {  	v56 =	vld [tilespmem:$0x370];
	v4 =	vadd.f32 v40, v4;
	v8 =	vadd.f32 v49, v8  }
0x5e: {  	v57 =	vld [tilespmem:$0x3E0];
	v3 =	vadd.f32 v23, v3;
	v7 =	vadd.f32 v50, v7  }
0x5f: {  	v2 =	vld [tilespmem:$0x440];
	v9 =	vadd.f32 v16, v9;
	v8 =	vadd.f32 v51, v8  }
0x60: {  	v59 =	vld [tilespmem:$0x3F0];
	v11 =	vadd.f32 v32, v11;
	v7 =	vadd.f32 v52, v7  }
0x61: {  	v61 =	vld [tilespmem:$0x460];
	v4 =	vadd.f32 v41, v4;
	v60 =	vadd.f32 v54, v8  }
0x62: {  	v62 =	vld [tilespmem:$0x470];
	[tilespmem:$0x480] =	vst v1;
	v1 =	vadd.f32 v39, v58;
	v7 =	vadd.f32 v55, v7  }
0x63: {  	v3 =	vadd.f32 v24, v3;
	[tilespmem:$0x490] =	vst v9;
	v5 =	vadd.f32 v56, v60  }
0x64: {  	[tilespmem:$0x4B0] =	vst v11;
	v1 =	vadd.f32 v2, v1;
	v2 =	vadd.f32 v57, v7  }
.Ltmp3:
0x65: {  	[tilespmem:$0x4A0] =	vst v3;
	v3 =	vadd.f32 v42, v4;
	v63 =	vadd.f32 v59, v5;
	(pc) =	sbr.rel .LBB2_3-.Ltmp3, $4  }
0x66: {  	[tilespmem:$0x4C0] =	vst v1;
	v1 =	vadd.f32 v61, v2  }
0x67: {  	[tilespmem:$0x4D0] =	vst v3;
	v2 =	vadd.f32 v62, v63  }
0x68: {  	[tilespmem:$0x4E0] =	vst v1  }
0x69: {  	[tilespmem:$0x4F0] =	vst v2  }
.LBB2_4:
0x6a: {  	_ =	sfence.sel $0x180000  }
0x6b: {  	[bflag:$0x0] =	sbarrier.arrive $0xFFFF  }
0x6c: {  	p0 =	sne.s32 s1, $0x0;
	_ =	strace $0x90000047  }
0x6d: {  	s0 =	sadd.s32 @!p0 $0x100000, s0;
	[bflag:$0x2] =	sbarrier.arrive $0xFFFF  }
0x6e: {  	[sflag:s0] =	ssyncadd.tile.s32 @!p0 $0x1;
	_ =	shalt  }
.Lfunc_end2:
_tile_overlayer_lowered:
.L_overlay_start_2:
0x6f: {  	(tag) =	ssettag $0x2  }
0x70: {  	s0 =	rddreg [dreg:$0x0];
	s2 =	stileid.u32  }
0x71: {  	s1 =	rddreg [dreg:$0x1];
	p0 =	sne.s32 s2, $0x0  }
0x72: {  	s3 =	rddreg [dreg:$0x2];
	[bflag:$0x3] =	sbarrier.arrive $0xFFFF;
	s2 =	simm.s32 @!p0 $0x1C02  }
0x73: {  	[timem:s3], [sflag:s2] =	dma.local @!p0 [hbm:s0], s1  }
0x74: {  	s0 =	simm.s32 @!p0 $0x2  }
0x75: {  	_ =	swait.ge @!p0 [sflag:s0], s1  }
0x76: {  	s1 =	ssub.s32 @!p0 $0x0, s1;
	[sflag:s0] =	ssyncset.done @!p0 $0x0  }
0x77: {  	[sflag:s0] =	ssyncadd.s32 @!p0 s1  }
0x78: {  	[bflag:$0x3] =	sbarrier.arrive $0xFFFF  }
0x79: {  	_ =	shalt  }

</sc_bundles>
